<compile_context>
chip_gen: v7x
topology: tpu7x:2x2x1
jax: 0.10.2.dev20260603
libtpu: 0.0.44.dev20260713+nightly
codegen_flags: <defaults>
</compile_context>

<pallas_src>
import functools

import jax
import jax.numpy as jnp
from jax import lax
from jax.experimental import pallas as pl
from jax.experimental.pallas import tpu as pltpu
from jax.experimental.pallas import tpu_sc as plsc

_N = 10000
_E = 320000
_D = 128
_NC = 2
_NS = 16
_NW = _NC * _NS
_EPW = _E // _NW
_RC0 = 80
_C = 80
_NPAIR = 63
_NPAD = 10240
_ACCR = _NPAD + _RC0
_RPT = _NPAD // _NS
_RC = 80
_TRASH = 10200


def _sc_agg(x_t, edges):
    mesh = plsc.VectorSubcoreMesh(core_axis_name="c", subcore_axis_name="s")

    @functools.partial(
        pl.kernel,
        out_type=jax.ShapeDtypeStruct((_NC, _NPAD + _RC, _D), jnp.float32),
        mesh=mesh,
        compiler_params=pltpu.CompilerParams(needs_layout_passes=False),
        scratch_types=[
            pltpu.VMEM((2, 2 * _C), jnp.int32),
            pltpu.VMEM((_C,), jnp.int32),
            pltpu.VMEM((_C,), jnp.int32),
            pltpu.VMEM((_C,), jnp.int32),
            pltpu.VMEM((_C,), jnp.int32),
            pltpu.VMEM((_C, _D), jnp.float32),
            pltpu.VMEM((_C, _D), jnp.float32),
            pltpu.VMEM((_RC, _D), jnp.float32),
            pltpu.VMEM((8, _D), jnp.float32),
            pltpu.VMEM((_NPAD,), jnp.int32),
            pltpu.VMEM_SHARED((_ACCR, _D), jnp.float32),
            pltpu.SemaphoreType.DMA,
            pltpu.SemaphoreType.DMA,
            pltpu.SemaphoreType.DMA,
            pltpu.SemaphoreType.DMA,
            pltpu.SemaphoreType.DMA,
        ],
    )
    def agg(x_hbm, edge_hbm, sum_hbm,
            pi_v, sia_v, dia_v, sib_v, dib_v, rowsa_v, rowsb_v, zr_v,
            c8_v, cnt_v, acc_sh, sema, semb, psem, ssem, asem):
        c = lax.axis_index("c")
        s = lax.axis_index("s")
        wid = s * _NC + c

        zeros16 = jnp.zeros((16,), jnp.float32)
        zeros16i = jnp.zeros((16,), jnp.int32)
        ones16i = jnp.ones((16,), jnp.int32)
        iota16 = lax.iota(jnp.int32, 16)

        def fill_zr(i, carry):
            for k in range(_D // 16):
                zr_v[i, pl.ds(k * 16, 16)] = zeros16
            return carry

        lax.fori_loop(0, _RC, fill_zr, 0)

        def fill_cnt(i, carry):
            cnt_v[pl.ds(i * 16, 16)] = zeros16i
            return carry

        lax.fori_loop(0, _NPAD // 16, fill_cnt, 0)

        base = s * _RPT

        def zinit(i, carry):
            pltpu.sync_copy(zr_v, acc_sh.at[pl.ds(base + i * _RC, _RC)])
            return carry

        lax.fori_loop(0, _RPT // _RC, zinit, 0)
        pltpu.sync_copy(zr_v.at[pl.ds(0, 8)],
                        acc_sh.at[pl.ds(_NPAD + 8 * s, 8)])
        plsc.subcore_barrier()

        def unpack(r, off, si_ref, di_ref):
            for t in range(_C // 16):
                w = pi_v[r, pl.ds(off + t * 16, 16)]
                si_ref[pl.ds(t * 16, 16)] = jnp.bitwise_and(w, 0xFFFF)
                d16 = lax.shift_right_logical(w, 16)
                di_ref[pl.ds(t * 16, 16)] = d16
                plsc.addupdate_scatter(cnt_v, [d16], ones16i)

        last = _NPAIR - 1

        pltpu.async_copy(edge_hbm.at[wid, 0], pi_v.at[0], psem)

        def pair(gi, carry):
            r = gi % 2
            pltpu.make_async_copy(edge_hbm.at[wid, 0], pi_v.at[r],
                                  psem).wait()

            @pl.when(gi < last)
            def _():
                pltpu.async_copy(edge_hbm.at[wid, gi + 1],
                                 pi_v.at[1 - r], psem)

            @pl.when(gi > 0)
            def _():
                pltpu.make_async_copy(rowsb_v, acc_sh.at[pl.ds(0, _C)],
                                      ssem).wait()
                pltpu.make_async_copy(rowsa_v, acc_sh.at[pl.ds(0, _C)],
                                      asem).wait()

            unpack(r, 0, sia_v, dia_v)
            da = pltpu.async_copy(x_hbm.at[sia_v], rowsa_v, sema)

            @pl.when(gi < last)
            def _():
                unpack(r, _C, sib_v, dib_v)
                pltpu.async_copy(x_hbm.at[sib_v], rowsb_v, semb)

            @pl.when(gi == last)
            def _():
                for t in range(_C // 16):
                    dib_v[pl.ds(t * 16, 16)] = _NPAD + t * 16 + iota16

                def cfill(g, carry2):
                    v = cnt_v[pl.ds(g * 16, 16)].astype(jnp.float32)
                    row = g // 8
                    col = (g % 8) * 16
                    rowsb_v[row, pl.ds(col, 16)] = v
                    return carry2

                lax.fori_loop(0, _NPAD // 16, cfill, 0)

            da.wait()
            pltpu.async_copy(rowsa_v, acc_sh.at[dia_v], asem, add=True)

            @pl.when(gi < last)
            def _():
                pltpu.make_async_copy(x_hbm.at[pl.ds(0, _C)], rowsb_v,
                                      semb).wait()

            pltpu.async_copy(rowsb_v, acc_sh.at[dib_v], ssem, add=True)
            return carry

        lax.fori_loop(0, _NPAIR, pair, 0)
        pltpu.make_async_copy(rowsb_v, acc_sh.at[pl.ds(0, _C)],
                              ssem).wait()
        pltpu.make_async_copy(rowsa_v, acc_sh.at[pl.ds(0, _C)],
                              asem).wait()
        plsc.subcore_barrier()

        def wout(i, carry):
            off = base + i * _RC
            pltpu.sync_copy(acc_sh.at[pl.ds(off, _RC)], zr_v)
            pltpu.sync_copy(zr_v, sum_hbm.at[c, pl.ds(off, _RC)])
            return carry

        lax.fori_loop(0, _RPT // _RC, wout, 0)

        @pl.when(s < 10)
        def _():
            pltpu.sync_copy(acc_sh.at[pl.ds(_NPAD + 8 * s, 8)], c8_v)
            pltpu.sync_copy(c8_v, sum_hbm.at[c, pl.ds(_NPAD + 8 * s, 8)])

    return agg(x_t, edges)


def _dense(psum, pcnt, x_t, w_l, w_r, b, relu, logsm):
    br = 400

    def body(p_ref, c_ref, x_ref, wl_ref, wr_ref, b_ref, o_ref):
        p = p_ref[0] + p_ref[1]
        cnt = c_ref[0] + c_ref[1]
        mean = p / jnp.maximum(cnt, 1.0)
        out = (
            jnp.dot(mean, wl_ref[...], preferred_element_type=jnp.float32,
                    precision=lax.Precision.HIGHEST)
            + jnp.dot(x_ref[...], wr_ref[...],
                      preferred_element_type=jnp.float32,
                      precision=lax.Precision.HIGHEST)
            + b_ref[...]
        )
        if relu:
            out = jnp.maximum(out, 0.0)
        if logsm:
            m = jnp.max(out, axis=1, keepdims=True)
            out = out - m - jnp.log(
                jnp.sum(jnp.exp(out - m), axis=1, keepdims=True))
        o_ref[...] = out

    return pl.pallas_call(
        body,
        grid=(_N // br,),
        in_specs=[
            pl.BlockSpec((2, br, _D), lambda i: (0, i, 0)),
            pl.BlockSpec((2, br, 1), lambda i: (0, i, 0)),
            pl.BlockSpec((br, _D), lambda i: (i, 0)),
            pl.BlockSpec((_D, _D), lambda i: (0, 0)),
            pl.BlockSpec((_D, _D), lambda i: (0, 0)),
            pl.BlockSpec((1, _D), lambda i: (0, 0)),
        ],
        out_specs=pl.BlockSpec((br, _D), lambda i: (i, 0)),
        out_shape=jax.ShapeDtypeStruct((_N, _D), jnp.float32),
    )(psum, pcnt, x_t, w_l, w_r, b)


def _pack_edges(edge_index):
    packed = jnp.bitwise_or(edge_index[0],
                            jnp.left_shift(edge_index[1], 16))
    packed = packed.reshape(_NW, _EPW)
    pad = jnp.full((_NW, _NPAIR * 2 * _C - _EPW), _TRASH << 16,
                   dtype=jnp.int32)
    return jnp.concatenate([packed, pad], axis=1).reshape(
        _NW, _NPAIR, 2 * _C)


def kernel(x, edge_index1, edge_index2, W_l1, W_r1, b1, W_l2, W_r2, b2):
    e1 = _pack_edges(edge_index1)
    e2 = _pack_edges(edge_index2)

    s1 = _sc_agg(x, e1)
    c1 = s1[:, _NPAD:, :].reshape(_NC, _NPAD, 1)
    h = _dense(s1, c1, x, W_l1, W_r1, b1.reshape(1, _D), relu=True,
               logsm=False)
    s2 = _sc_agg(h, e2)
    c2 = s2[:, _NPAD:, :].reshape(_NC, _NPAD, 1)
    return _dense(s2, c2, h, W_l2, W_r2, b2.reshape(1, _D), relu=False,
                  logsm=True)

# --- scband reference (transcript-rebuilt; emitter-appended) ---
"""Pipeline reference for scband-sage-37726992728910 (READ-ONLY COPY).

The authoritative reference and input builder live on the scoring server;
editing this copy changes nothing except your own understanding.
"""

import jax, jax.numpy as jnp
import numpy as np

N = 10000
E = 320000
D = 128


def setup_inputs(seed: int = 0) -> dict:
    key = jax.random.key(seed)
    ks = jax.random.split(key, 10)
    x = jax.random.normal(ks[0], (N, D), dtype=jnp.float32)
    edge_index1 = jax.random.randint(ks[1], (2, E), 0, N, dtype=jnp.int32)
    edge_index2 = jax.random.randint(ks[2], (2, E), 0, N, dtype=jnp.int32)
    s = 1.0 / np.sqrt(D)
    W_l1 = jax.random.normal(ks[3], (D, D), dtype=jnp.float32) * s
    W_r1 = jax.random.normal(ks[4], (D, D), dtype=jnp.float32) * s
    b1 = jnp.zeros((D,), dtype=jnp.float32)
    W_l2 = jax.random.normal(ks[5], (D, D), dtype=jnp.float32) * s
    W_r2 = jax.random.normal(ks[6], (D, D), dtype=jnp.float32) * s
    b2 = jnp.zeros((D,), dtype=jnp.float32)
    return {"x": x, "edge_index1": edge_index1, "edge_index2": edge_index2,
            "W_l1": W_l1, "W_r1": W_r1, "b1": b1,
            "W_l2": W_l2, "W_r2": W_r2, "b2": b2}


def _sage_conv(x_src, x_tgt, edge_index, W_l, W_r, b):
    # PyG SAGEConv with mean aggregation on a bipartite (x_src, x_tgt) pair:
    #   out = lin_l(mean_{j in N(i)} x_src[j]) + lin_r(x_tgt[i])
    src = edge_index[0]
    dst = edge_index[1]
    n_dst = x_tgt.shape[0]
    msgs = jnp.take(x_src, src, axis=0)                       # gather [E, D]
    summed = jax.ops.segment_sum(msgs, dst, num_segments=n_dst)
    counts = jax.ops.segment_sum(jnp.ones((msgs.shape[0],), dtype=x_src.dtype), dst, num_segments=n_dst)
    mean = summed / jnp.clip(counts, 1.0)[:, None]
    return mean @ W_l + x_tgt @ W_r + b


def reference(x, edge_index1, edge_index2, W_l1, W_r1, b1, W_l2, W_r2, b2):
    # Layer 0: size = (N, N) so x_target = x[:N] = x
    h = _sage_conv(x, x, edge_index1, W_l1, W_r1, b1)
    h = jax.nn.relu(h)  # dropout is identity in eval mode
    # Layer 1 (last layer): no relu/dropout
    h = _sage_conv(h, h, edge_index2, W_l2, W_r2, b2)
    return jax.nn.log_softmax(h, axis=-1)

if __name__ == "__main__":
    import jax
    _d = setup_inputs()
    print(jax.jit(kernel)(*tuple(_d.values())))

</pallas_src>

<mosaic_0001>
#map = affine_map<(d0, d1) -> (0, 0)>
#map1 = affine_map<(d0, d1) -> (0, 0, 0)>
module attributes {stable_mosaic.version = 14 : i64} {
  func.func @agg(%arg0: i32, %arg1: i32, %arg2: memref<10000x128xf32, #tpu.memory_space<hbm>>, %arg3: memref<32x63x160xi32, #tpu.memory_space<hbm>>, %arg4: memref<2x10320x128xf32, #tpu.memory_space<hbm>>, %arg5: memref<2x160xi32, #tpu.memory_space<vmem>>, %arg6: memref<80xi32, #tpu.memory_space<vmem>>, %arg7: memref<80xi32, #tpu.memory_space<vmem>>, %arg8: memref<80xi32, #tpu.memory_space<vmem>>, %arg9: memref<80xi32, #tpu.memory_space<vmem>>, %arg10: memref<80x128xf32, #tpu.memory_space<vmem>>, %arg11: memref<80x128xf32, #tpu.memory_space<vmem>>, %arg12: memref<80x128xf32, #tpu.memory_space<vmem>>, %arg13: memref<8x128xf32, #tpu.memory_space<vmem>>, %arg14: memref<10240xi32, #tpu.memory_space<vmem>>, %arg15: memref<10320x128xf32, #tpu.memory_space<vmem_shared>>, %arg16: memref<!tpu.dma_semaphore, #tpu.memory_space<semaphore_mem>>, %arg17: memref<!tpu.dma_semaphore, #tpu.memory_space<semaphore_mem>>, %arg18: memref<!tpu.dma_semaphore, #tpu.memory_space<semaphore_mem>>, %arg19: memref<!tpu.dma_semaphore, #tpu.memory_space<semaphore_mem>>, %arg20: memref<!tpu.dma_semaphore, #tpu.memory_space<semaphore_mem>>) attributes {dimension_semantics = [#tpu.dimension_semantics<core_parallel>, #tpu.dimension_semantics<subcore_parallel>], iteration_bounds = array<i64: 2, 16>, scalar_prefetch = 0 : i64, scratch_operands = 16 : i64, tpu.core_type = #tpu.core_type<sc_vector_subcore>, window_params = [{transform_indices = #map}, {transform_indices = #map1}, {transform_indices = #map1}]} {
    %mul3A = arith.constant 2 : i32
    %mul3A_0 = arith.muli %arg1, %mul3A : i32
    %add3A = arith.addi %mul3A_0, %arg0 : i32
    %broadcast_in_dim3A = arith.constant 0.000000e+00 : f32
    %broadcast_in_dim3A_1 = vector.broadcast %broadcast_in_dim3A : f32 to vector<16xf32>
    %broadcast_in_dim3A_2 = arith.constant 0 : i32
    %broadcast_in_dim3A_3 = vector.broadcast %broadcast_in_dim3A_2 : i32 to vector<16xi32>
    %broadcast_in_dim3A_4 = arith.constant 1 : i32
    %broadcast_in_dim3A_5 = vector.broadcast %broadcast_in_dim3A_4 : i32 to vector<16xi32>
    %iota3A = tpu.iota {dimensions = array<i32: 0>} : vector<16xi32>
    %scan3A = arith.constant 0 : i32
    %scan3A_6 = arith.constant 0 : i32
    %scan3A_7 = arith.constant 80 : i32
    %scan3A_8 = arith.addi %scan3A_6, %scan3A_7 : i32
    %scan3A_9 = arith.constant 1 : i32
    scf.for %scan3A_68 = %scan3A_6 to %scan3A_8 step %scan3A_9  : i32 {
      %swap3A = arith.index_cast %scan3A_68 : i32 to index
      %swap3A_69 = arith.constant 0 : index
      %swap3A_70 = tpu.vector_load %arg12[%swap3A, %swap3A_69] {strides = array<i32>} : memref<80x128xf32, #tpu.memory_space<vmem>>, vector<16xf32>,
      tpu.vector_store %arg12[%swap3A, %swap3A_69], %broadcast_in_dim3A_1 {strides = array<i32>} : memref<80x128xf32, #tpu.memory_space<vmem>>, vector<16xf32>,
      %swap3A_71 = arith.index_cast %scan3A_68 : i32 to index
      %swap3A_72 = arith.constant 16 : index
      %swap3A_73 = tpu.vector_load %arg12[%swap3A_71, %swap3A_72] {strides = array<i32>} : memref<80x128xf32, #tpu.memory_space<vmem>>, vector<16xf32>,
      tpu.vector_store %arg12[%swap3A_71, %swap3A_72], %broadcast_in_dim3A_1 {strides = array<i32>} : memref<80x128xf32, #tpu.memory_space<vmem>>, vector<16xf32>,
      %swap3A_74 = arith.index_cast %scan3A_68 : i32 to index
      %swap3A_75 = arith.constant 32 : index
      %swap3A_76 = tpu.vector_load %arg12[%swap3A_74, %swap3A_75] {strides = array<i32>} : memref<80x128xf32, #tpu.memory_space<vmem>>, vector<16xf32>,
      tpu.vector_store %arg12[%swap3A_74, %swap3A_75], %broadcast_in_dim3A_1 {strides = array<i32>} : memref<80x128xf32, #tpu.memory_space<vmem>>, vector<16xf32>,
      %swap3A_77 = arith.index_cast %scan3A_68 : i32 to index
      %swap3A_78 = arith.constant 48 : index
      %swap3A_79 = tpu.vector_load %arg12[%swap3A_77, %swap3A_78] {strides = array<i32>} : memref<80x128xf32, #tpu.memory_space<vmem>>, vector<16xf32>,
      tpu.vector_store %arg12[%swap3A_77, %swap3A_78], %broadcast_in_dim3A_1 {strides = array<i32>} : memref<80x128xf32, #tpu.memory_space<vmem>>, vector<16xf32>,
      %swap3A_80 = arith.index_cast %scan3A_68 : i32 to index
      %swap3A_81 = arith.constant 64 : index
      %swap3A_82 = tpu.vector_load %arg12[%swap3A_80, %swap3A_81] {strides = array<i32>} : memref<80x128xf32, #tpu.memory_space<vmem>>, vector<16xf32>,
      tpu.vector_store %arg12[%swap3A_80, %swap3A_81], %broadcast_in_dim3A_1 {strides = array<i32>} : memref<80x128xf32, #tpu.memory_space<vmem>>, vector<16xf32>,
      %swap3A_83 = arith.index_cast %scan3A_68 : i32 to index
      %swap3A_84 = arith.constant 80 : index
      %swap3A_85 = tpu.vector_load %arg12[%swap3A_83, %swap3A_84] {strides = array<i32>} : memref<80x128xf32, #tpu.memory_space<vmem>>, vector<16xf32>,
      tpu.vector_store %arg12[%swap3A_83, %swap3A_84], %broadcast_in_dim3A_1 {strides = array<i32>} : memref<80x128xf32, #tpu.memory_space<vmem>>, vector<16xf32>,
      %swap3A_86 = arith.index_cast %scan3A_68 : i32 to index
      %swap3A_87 = arith.constant 96 : index
      %swap3A_88 = tpu.vector_load %arg12[%swap3A_86, %swap3A_87] {strides = array<i32>} : memref<80x128xf32, #tpu.memory_space<vmem>>, vector<16xf32>,
      tpu.vector_store %arg12[%swap3A_86, %swap3A_87], %broadcast_in_dim3A_1 {strides = array<i32>} : memref<80x128xf32, #tpu.memory_space<vmem>>, vector<16xf32>,
      %swap3A_89 = arith.index_cast %scan3A_68 : i32 to index
      %swap3A_90 = arith.constant 112 : index
      %swap3A_91 = tpu.vector_load %arg12[%swap3A_89, %swap3A_90] {strides = array<i32>} : memref<80x128xf32, #tpu.memory_space<vmem>>, vector<16xf32>,
      tpu.vector_store %arg12[%swap3A_89, %swap3A_90], %broadcast_in_dim3A_1 {strides = array<i32>} : memref<80x128xf32, #tpu.memory_space<vmem>>, vector<16xf32>,
    }
    %scan3A_10 = arith.constant 80 : i32
    %scan3A_11 = arith.constant 0 : i32
    %scan3A_12 = arith.constant 0 : i32
    %scan3A_13 = arith.constant 640 : i32
    %scan3A_14 = arith.addi %scan3A_12, %scan3A_13 : i32
    %scan3A_15 = arith.constant 1 : i32
    scf.for %scan3A_68 = %scan3A_12 to %scan3A_14 step %scan3A_15  : i32 {
      %mul3A_69 = arith.constant 16 : i32
      %mul3A_70 = arith.muli %scan3A_68, %mul3A_69 : i32
      %swap3A = arith.index_cast %mul3A_70 : i32 to index
      %swap3A_71 = tpu.vector_load %arg14[%swap3A] {strides = array<i32>} : memref<10240xi32, #tpu.memory_space<vmem>>, vector<16xi32>,
      tpu.vector_store %arg14[%swap3A], %broadcast_in_dim3A_3 {strides = array<i32>} : memref<10240xi32, #tpu.memory_space<vmem>>, vector<16xi32>,
    }
    %scan3A_16 = arith.constant 640 : i32
    %mul3A_17 = arith.constant 640 : i32
    %mul3A_18 = arith.muli %arg1, %mul3A_17 : i32
    %scan3A_19 = arith.constant 0 : i32
    %scan3A_20 = arith.constant 0 : i32
    %scan3A_21 = arith.constant 8 : i32
    %scan3A_22 = arith.addi %scan3A_20, %scan3A_21 : i32
    %scan3A_23 = arith.constant 1 : i32
    scf.for %scan3A_68 = %scan3A_20 to %scan3A_22 step %scan3A_23  : i32 {
      %mul3A_69 = arith.constant 80 : i32
      %mul3A_70 = arith.muli %scan3A_68, %mul3A_69 : i32
      %add3A_71 = arith.addi %mul3A_18, %mul3A_70 : i32
      "tpu.region"() ({
        %run_scoped3A = tpu.sem_alloc : memref<!tpu.dma_semaphore, #tpu.memory_space<semaphore_mem>>
        %dma_start3A_72 = arith.constant 0 : i32
        %dma_start3A_73 = tpu.memref_slice %arg15[%add3A_71, %dma_start3A_72] : memref<10320x128xf32, #tpu.memory_space<vmem_shared>> -> memref<80x128xf32, #tpu.memory_space<vmem_shared>>
        %dma_start3A_74 = arith.constant 0 : i32
        %dma_start3A_75 = tpu.memref_slice %arg15[%add3A_71, %dma_start3A_74] : memref<10320x128xf32, #tpu.memory_space<vmem_shared>> -> memref<80x128xf32, #tpu.memory_space<vmem_shared>>
        tpu.enqueue_dma source(%arg12 : memref<80x128xf32, #tpu.memory_space<vmem>>) target(%dma_start3A_75 : memref<80x128xf32, #tpu.memory_space<vmem_shared>>) target_semaphore(%run_scoped3A : memref<!tpu.dma_semaphore, #tpu.memory_space<semaphore_mem>>)
        %dma_wait3A_76 = arith.constant 0 : i32
        %dma_wait3A_77 = tpu.memref_slice %arg15[%add3A_71, %dma_wait3A_76] : memref<10320x128xf32, #tpu.memory_space<vmem_shared>> -> memref<80x128xf32, #tpu.memory_space<vmem_shared>>
        %dma_wait3A_78 = arith.constant 0 : i32
        %dma_wait3A_79 = tpu.memref_slice %arg15[%add3A_71, %dma_wait3A_78] : memref<10320x128xf32, #tpu.memory_space<vmem_shared>> -> memref<80x128xf32, #tpu.memory_space<vmem_shared>>
        tpu.wait_dma2 semaphore(%run_scoped3A : memref<!tpu.dma_semaphore, #tpu.memory_space<semaphore_mem>>) src(%arg12 : memref<80x128xf32, #tpu.memory_space<vmem>>) dst(%dma_wait3A_79 : memref<80x128xf32, #tpu.memory_space<vmem_shared>>)
        tpu.yield
      }) : () -> ()
    }
    %scan3A_24 = arith.constant 8 : i32
    %mul3A_25 = arith.constant 8 : i32
    %mul3A_26 = arith.muli %mul3A_25, %arg1 : i32
    %add3A_27 = arith.constant 10240 : i32
    %add3A_28 = arith.addi %add3A_27, %mul3A_26 : i32
    "tpu.region"() ({
      %run_scoped3A = tpu.sem_alloc : memref<!tpu.dma_semaphore, #tpu.memory_space<semaphore_mem>>
      %dma_start3A_68 = arith.constant 0 : i32
      %dma_start3A_69 = arith.constant 0 : i32
      %dma_start3A_70 = tpu.memref_slice %arg12[%dma_start3A_68, %dma_start3A_69] : memref<80x128xf32, #tpu.memory_space<vmem>> -> memref<8x128xf32, #tpu.memory_space<vmem>>
      %dma_start3A_71 = arith.constant 0 : i32
      %dma_start3A_72 = tpu.memref_slice %arg15[%add3A_28, %dma_start3A_71] : memref<10320x128xf32, #tpu.memory_space<vmem_shared>> -> memref<8x128xf32, #tpu.memory_space<vmem_shared>>
      %dma_start3A_73 = arith.constant 0 : i32
      %dma_start3A_74 = tpu.memref_slice %arg15[%add3A_28, %dma_start3A_73] : memref<10320x128xf32, #tpu.memory_space<vmem_shared>> -> memref<8x128xf32, #tpu.memory_space<vmem_shared>>
      %dma_start3A_75 = arith.constant 0 : i32
      %dma_start3A_76 = arith.constant 0 : i32
      %dma_start3A_77 = tpu.memref_slice %arg12[%dma_start3A_75, %dma_start3A_76] : memref<80x128xf32, #tpu.memory_space<vmem>> -> memref<8x128xf32, #tpu.memory_space<vmem>>
      tpu.enqueue_dma source(%dma_start3A_77 : memref<8x128xf32, #tpu.memory_space<vmem>>) target(%dma_start3A_74 : memref<8x128xf32, #tpu.memory_space<vmem_shared>>) target_semaphore(%run_scoped3A : memref<!tpu.dma_semaphore, #tpu.memory_space<semaphore_mem>>)
      %dma_wait3A_78 = arith.constant 0 : i32
      %dma_wait3A_79 = arith.constant 0 : i32
      %dma_wait3A_80 = tpu.memref_slice %arg12[%dma_wait3A_78, %dma_wait3A_79] : memref<80x128xf32, #tpu.memory_space<vmem>> -> memref<8x128xf32, #tpu.memory_space<vmem>>
      %dma_wait3A_81 = arith.constant 0 : i32
      %dma_wait3A_82 = tpu.memref_slice %arg15[%add3A_28, %dma_wait3A_81] : memref<10320x128xf32, #tpu.memory_space<vmem_shared>> -> memref<8x128xf32, #tpu.memory_space<vmem_shared>>
      %dma_wait3A_83 = arith.constant 0 : i32
      %dma_wait3A_84 = tpu.memref_slice %arg15[%add3A_28, %dma_wait3A_83] : memref<10320x128xf32, #tpu.memory_space<vmem_shared>> -> memref<8x128xf32, #tpu.memory_space<vmem_shared>>
      %dma_wait3A_85 = arith.constant 0 : i32
      %dma_wait3A_86 = arith.constant 0 : i32
      %dma_wait3A_87 = tpu.memref_slice %arg12[%dma_wait3A_85, %dma_wait3A_86] : memref<80x128xf32, #tpu.memory_space<vmem>> -> memref<8x128xf32, #tpu.memory_space<vmem>>
      tpu.wait_dma2 semaphore(%run_scoped3A : memref<!tpu.dma_semaphore, #tpu.memory_space<semaphore_mem>>) src(%dma_wait3A_87 : memref<8x128xf32, #tpu.memory_space<vmem>>) dst(%dma_wait3A_84 : memref<8x128xf32, #tpu.memory_space<vmem_shared>>)
      tpu.yield
    }) : () -> ()
    %barrier3A = arith.constant 0 : index
    tpu.barrier barrier_id(%barrier3A)
    %dma_start3A = arith.constant 0 : i32
    %dma_start3A_29 = arith.constant 0 : i32
    %dma_start3A_30 = arith.constant 0 : i32
    %dma_start3A_31 = tpu.memref_slice %arg5[%dma_start3A_29, %dma_start3A_30] : memref<2x160xi32, #tpu.memory_space<vmem>> -> memref<1x160xi32, #tpu.memory_space<vmem>>
    %dma_start3A_32 = tpu.memref_squeeze %dma_start3A_31 : memref<1x160xi32, #tpu.memory_space<vmem>> -> memref<160xi32, #tpu.memory_space<vmem>>
    %dma_start3A_33 = arith.constant 0 : i32
    %dma_start3A_34 = tpu.memref_slice %arg3[%add3A, %dma_start3A, %dma_start3A_33] : memref<32x63x160xi32, #tpu.memory_space<hbm>> -> memref<1x1x160xi32, #tpu.memory_space<hbm>>
    %dma_start3A_35 = tpu.memref_squeeze %dma_start3A_34 : memref<1x1x160xi32, #tpu.memory_space<hbm>> -> memref<160xi32, #tpu.memory_space<hbm>>
    %dma_start3A_36 = arith.constant 0 : i32
    %dma_start3A_37 = tpu.memref_slice %arg5[%dma_start3A_29, %dma_start3A_36] : memref<2x160xi32, #tpu.memory_space<vmem>> -> memref<1x160xi32, #tpu.memory_space<vmem>>
    %dma_start3A_38 = tpu.memref_squeeze %dma_start3A_37 : memref<1x160xi32, #tpu.memory_space<vmem>> -> memref<160xi32, #tpu.memory_space<vmem>>
    %dma_start3A_39 = arith.constant 0 : i32
    %dma_start3A_40 = tpu.memref_slice %arg3[%add3A, %dma_start3A, %dma_start3A_39] : memref<32x63x160xi32, #tpu.memory_space<hbm>> -> memref<1x1x160xi32, #tpu.memory_space<hbm>>
    %dma_start3A_41 = tpu.memref_squeeze %dma_start3A_40 : memref<1x1x160xi32, #tpu.memory_space<hbm>> -> memref<160xi32, #tpu.memory_space<hbm>>
    tpu.enqueue_dma source(%dma_start3A_41 : memref<160xi32, #tpu.memory_space<hbm>>) target(%dma_start3A_38 : memref<160xi32, #tpu.memory_space<vmem>>) target_semaphore(%arg18 : memref<!tpu.dma_semaphore, #tpu.memory_space<semaphore_mem>>)
    %scan3A_42 = arith.constant 0 : i32
    %scan3A_43 = arith.constant 0 : i32
    %scan3A_44 = arith.constant 63 : i32
    %scan3A_45 = arith.addi %scan3A_43, %scan3A_44 : i32
    %scan3A_46 = arith.constant 1 : i32
    scf.for %scan3A_68 = %scan3A_43 to %scan3A_45 step %scan3A_46  : i32 {
      %jit3A = arith.constant 2 : i32
      %eq3A = arith.constant 0 : i32
      %eq3A_69 = arith.cmpi eq, %jit3A, %eq3A : i32
      %jit3A_70 = arith.constant 1 : i32
      %select_n3A = arith.select %eq3A_69, %jit3A_70, %jit3A : i32
      %rem3A = arith.remsi %scan3A_68, %select_n3A : i32
      %ne3A = arith.constant 0 : i32
      %ne3A_71 = arith.cmpi ne, %rem3A, %ne3A : i32
      %lt3A_72 = arith.constant 0 : i32
      %lt3A_73 = arith.cmpi slt, %rem3A, %lt3A_72 : i32
      %lt3A_74 = arith.constant 0 : i32
      %lt3A_75 = arith.cmpi slt, %select_n3A, %lt3A_74 : i32
      %ne3A_76 = arith.xori %lt3A_73, %lt3A_75 : i1
      %and3A = arith.andi %ne3A_76, %ne3A_71 : i1
      %add3A_77 = arith.addi %rem3A, %select_n3A : i32
      %select_n3A_78 = arith.select %and3A, %add3A_77, %rem3A : i32
      %dma_wait3A_79 = arith.constant 0 : i32
      %dma_wait3A_80 = arith.constant 0 : i32
      %dma_wait3A_81 = tpu.memref_slice %arg5[%select_n3A_78, %dma_wait3A_80] : memref<2x160xi32, #tpu.memory_space<vmem>> -> memref<1x160xi32, #tpu.memory_space<vmem>>
      %dma_wait3A_82 = tpu.memref_squeeze %dma_wait3A_81 : memref<1x160xi32, #tpu.memory_space<vmem>> -> memref<160xi32, #tpu.memory_space<vmem>>
      %dma_wait3A_83 = arith.constant 0 : i32
      %dma_wait3A_84 = tpu.memref_slice %arg3[%add3A, %dma_wait3A_79, %dma_wait3A_83] : memref<32x63x160xi32, #tpu.memory_space<hbm>> -> memref<1x1x160xi32, #tpu.memory_space<hbm>>
      %dma_wait3A_85 = tpu.memref_squeeze %dma_wait3A_84 : memref<1x1x160xi32, #tpu.memory_space<hbm>> -> memref<160xi32, #tpu.memory_space<hbm>>
      %dma_wait3A_86 = arith.constant 0 : i32
      %dma_wait3A_87 = tpu.memref_slice %arg5[%select_n3A_78, %dma_wait3A_86] : memref<2x160xi32, #tpu.memory_space<vmem>> -> memref<1x160xi32, #tpu.memory_space<vmem>>
      %dma_wait3A_88 = tpu.memref_squeeze %dma_wait3A_87 : memref<1x160xi32, #tpu.memory_space<vmem>> -> memref<160xi32, #tpu.memory_space<vmem>>
      %dma_wait3A_89 = arith.constant 0 : i32
      %dma_wait3A_90 = tpu.memref_slice %arg3[%add3A, %dma_wait3A_79, %dma_wait3A_89] : memref<32x63x160xi32, #tpu.memory_space<hbm>> -> memref<1x1x160xi32, #tpu.memory_space<hbm>>
      %dma_wait3A_91 = tpu.memref_squeeze %dma_wait3A_90 : memref<1x1x160xi32, #tpu.memory_space<hbm>> -> memref<160xi32, #tpu.memory_space<hbm>>
      tpu.wait_dma2 semaphore(%arg18 : memref<!tpu.dma_semaphore, #tpu.memory_space<semaphore_mem>>) src(%dma_wait3A_91 : memref<160xi32, #tpu.memory_space<hbm>>) dst(%dma_wait3A_88 : memref<160xi32, #tpu.memory_space<vmem>>)
      %lt3A_92 = arith.constant 62 : i32
      %lt3A_93 = arith.cmpi slt, %scan3A_68, %lt3A_92 : i32
      %convert_element_type3A_94 = arith.extui %lt3A_93 : i1 to i32
      %cond3A_95 = arith.constant 0 : i32
      %cond3A_96 = arith.cmpi ne, %convert_element_type3A_94, %cond3A_95 : i32
      scf.if %cond3A_96 {
        %add3A_190 = arith.constant 1 : i32
        %add3A_191 = arith.addi %scan3A_68, %add3A_190 : i32
        %sub3A = arith.constant 1 : i32
        %sub3A_192 = arith.subi %sub3A, %select_n3A_78 : i32
        %dma_start3A_193 = arith.constant 0 : i32
        %dma_start3A_194 = tpu.memref_slice %arg5[%sub3A_192, %dma_start3A_193] : memref<2x160xi32, #tpu.memory_space<vmem>> -> memref<1x160xi32, #tpu.memory_space<vmem>>
        %dma_start3A_195 = tpu.memref_squeeze %dma_start3A_194 : memref<1x160xi32, #tpu.memory_space<vmem>> -> memref<160xi32, #tpu.memory_space<vmem>>
        %dma_start3A_196 = arith.constant 0 : i32
        %dma_start3A_197 = tpu.memref_slice %arg3[%add3A, %add3A_191, %dma_start3A_196] : memref<32x63x160xi32, #tpu.memory_space<hbm>> -> memref<1x1x160xi32, #tpu.memory_space<hbm>>
        %dma_start3A_198 = tpu.memref_squeeze %dma_start3A_197 : memref<1x1x160xi32, #tpu.memory_space<hbm>> -> memref<160xi32, #tpu.memory_space<hbm>>
        %dma_start3A_199 = arith.constant 0 : i32
        %dma_start3A_200 = tpu.memref_slice %arg5[%sub3A_192, %dma_start3A_199] : memref<2x160xi32, #tpu.memory_space<vmem>> -> memref<1x160xi32, #tpu.memory_space<vmem>>
        %dma_start3A_201 = tpu.memref_squeeze %dma_start3A_200 : memref<1x160xi32, #tpu.memory_space<vmem>> -> memref<160xi32, #tpu.memory_space<vmem>>
        %dma_start3A_202 = arith.constant 0 : i32
        %dma_start3A_203 = tpu.memref_slice %arg3[%add3A, %add3A_191, %dma_start3A_202] : memref<32x63x160xi32, #tpu.memory_space<hbm>> -> memref<1x1x160xi32, #tpu.memory_space<hbm>>
        %dma_start3A_204 = tpu.memref_squeeze %dma_start3A_203 : memref<1x1x160xi32, #tpu.memory_space<hbm>> -> memref<160xi32, #tpu.memory_space<hbm>>
        tpu.enqueue_dma source(%dma_start3A_204 : memref<160xi32, #tpu.memory_space<hbm>>) target(%dma_start3A_201 : memref<160xi32, #tpu.memory_space<vmem>>) target_semaphore(%arg18 : memref<!tpu.dma_semaphore, #tpu.memory_space<semaphore_mem>>)
      } else {
      }
      %gt3A = arith.constant 0 : i32
      %gt3A_97 = arith.cmpi sgt, %scan3A_68, %gt3A : i32
      %convert_element_type3A_98 = arith.extui %gt3A_97 : i1 to i32
      %cond3A_99 = arith.constant 0 : i32
      %cond3A_100 = arith.cmpi ne, %convert_element_type3A_98, %cond3A_99 : i32
      scf.if %cond3A_100 {
        %dma_wait3A_190 = arith.constant 0 : i32
        %dma_wait3A_191 = arith.constant 0 : i32
        %dma_wait3A_192 = tpu.memref_slice %arg15[%dma_wait3A_190, %dma_wait3A_191] : memref<10320x128xf32, #tpu.memory_space<vmem_shared>> -> memref<80x128xf32, #tpu.memory_space<vmem_shared>>
        %dma_wait3A_193 = arith.constant 0 : i32
        %dma_wait3A_194 = arith.constant 0 : i32
        %dma_wait3A_195 = tpu.memref_slice %arg15[%dma_wait3A_193, %dma_wait3A_194] : memref<10320x128xf32, #tpu.memory_space<vmem_shared>> -> memref<80x128xf32, #tpu.memory_space<vmem_shared>>
        tpu.wait_dma2 semaphore(%arg19 : memref<!tpu.dma_semaphore, #tpu.memory_space<semaphore_mem>>) src(%arg11 : memref<80x128xf32, #tpu.memory_space<vmem>>) dst(%dma_wait3A_195 : memref<80x128xf32, #tpu.memory_space<vmem_shared>>)
        %dma_wait3A_196 = arith.constant 0 : i32
        %dma_wait3A_197 = arith.constant 0 : i32
        %dma_wait3A_198 = tpu.memref_slice %arg15[%dma_wait3A_196, %dma_wait3A_197] : memref<10320x128xf32, #tpu.memory_space<vmem_shared>> -> memref<80x128xf32, #tpu.memory_space<vmem_shared>>
        %dma_wait3A_199 = arith.constant 0 : i32
        %dma_wait3A_200 = arith.constant 0 : i32
        %dma_wait3A_201 = tpu.memref_slice %arg15[%dma_wait3A_199, %dma_wait3A_200] : memref<10320x128xf32, #tpu.memory_space<vmem_shared>> -> memref<80x128xf32, #tpu.memory_space<vmem_shared>>
        tpu.wait_dma2 semaphore(%arg20 : memref<!tpu.dma_semaphore, #tpu.memory_space<semaphore_mem>>) src(%arg10 : memref<80x128xf32, #tpu.memory_space<vmem>>) dst(%dma_wait3A_201 : memref<80x128xf32, #tpu.memory_space<vmem_shared>>)
      } else {
      }
      %get3A = arith.index_cast %select_n3A_78 : i32 to index
      %get3A_101 = arith.constant 0 : index
      %get3A_102 = tpu.vector_load %arg5[%get3A, %get3A_101] {strides = array<i32>} : memref<2x160xi32, #tpu.memory_space<vmem>>, vector<16xi32>,
      %and3A_103 = arith.constant 65535 : i32
      %and3A_104 = vector.broadcast %and3A_103 : i32 to vector<16xi32>
      %and3A_105 = arith.andi %get3A_102, %and3A_104 : vector<16xi32>
      %swap3A = arith.constant 0 : index
      %swap3A_106 = tpu.vector_load %arg6[%swap3A] {strides = array<i32>} : memref<80xi32, #tpu.memory_space<vmem>>, vector<16xi32>,
      tpu.vector_store %arg6[%swap3A], %and3A_105 {strides = array<i32>} : memref<80xi32, #tpu.memory_space<vmem>>, vector<16xi32>,
      %shift_right_logical3A = arith.constant 16 : i32
      %shift_right_logical3A_107 = vector.broadcast %shift_right_logical3A : i32 to vector<16xi32>
      %shift_right_logical3A_108 = arith.shrui %get3A_102, %shift_right_logical3A_107 : vector<16xi32>
      %swap3A_109 = arith.constant 0 : index
      %swap3A_110 = tpu.vector_load %arg7[%swap3A_109] {strides = array<i32>} : memref<80xi32, #tpu.memory_space<vmem>>, vector<16xi32>,
      tpu.vector_store %arg7[%swap3A_109], %shift_right_logical3A_108 {strides = array<i32>} : memref<80xi32, #tpu.memory_space<vmem>>, vector<16xi32>,
      tpu.vector_store_idx %arg14[%shift_right_logical3A_108], %broadcast_in_dim3A_5 {add = true} : memref<10240xi32, #tpu.memory_space<vmem>>[vector<16xi32>], vector<16xi32>,
      %get3A_111 = arith.index_cast %select_n3A_78 : i32 to index
      %get3A_112 = arith.constant 16 : index
      %get3A_113 = tpu.vector_load %arg5[%get3A_111, %get3A_112] {strides = array<i32>} : memref<2x160xi32, #tpu.memory_space<vmem>>, vector<16xi32>,
      %and3A_114 = arith.constant 65535 : i32
      %and3A_115 = vector.broadcast %and3A_114 : i32 to vector<16xi32>
      %and3A_116 = arith.andi %get3A_113, %and3A_115 : vector<16xi32>
      %swap3A_117 = arith.constant 16 : index
      %swap3A_118 = tpu.vector_load %arg6[%swap3A_117] {strides = array<i32>} : memref<80xi32, #tpu.memory_space<vmem>>, vector<16xi32>,
      tpu.vector_store %arg6[%swap3A_117], %and3A_116 {strides = array<i32>} : memref<80xi32, #tpu.memory_space<vmem>>, vector<16xi32>,
      %shift_right_logical3A_119 = arith.constant 16 : i32
      %shift_right_logical3A_120 = vector.broadcast %shift_right_logical3A_119 : i32 to vector<16xi32>
      %shift_right_logical3A_121 = arith.shrui %get3A_113, %shift_right_logical3A_120 : vector<16xi32>
      %swap3A_122 = arith.constant 16 : index
      %swap3A_123 = tpu.vector_load %arg7[%swap3A_122] {strides = array<i32>} : memref<80xi32, #tpu.memory_space<vmem>>, vector<16xi32>,
      tpu.vector_store %arg7[%swap3A_122], %shift_right_logical3A_121 {strides = array<i32>} : memref<80xi32, #tpu.memory_space<vmem>>, vector<16xi32>,
      tpu.vector_store_idx %arg14[%shift_right_logical3A_121], %broadcast_in_dim3A_5 {add = true} : memref<10240xi32, #tpu.memory_space<vmem>>[vector<16xi32>], vector<16xi32>,
      %get3A_124 = arith.index_cast %select_n3A_78 : i32 to index
      %get3A_125 = arith.constant 32 : index
      %get3A_126 = tpu.vector_load %arg5[%get3A_124, %get3A_125] {strides = array<i32>} : memref<2x160xi32, #tpu.memory_space<vmem>>, vector<16xi32>,
      %and3A_127 = arith.constant 65535 : i32
      %and3A_128 = vector.broadcast %and3A_127 : i32 to vector<16xi32>
      %and3A_129 = arith.andi %get3A_126, %and3A_128 : vector<16xi32>
      %swap3A_130 = arith.constant 32 : index
      %swap3A_131 = tpu.vector_load %arg6[%swap3A_130] {strides = array<i32>} : memref<80xi32, #tpu.memory_space<vmem>>, vector<16xi32>,
      tpu.vector_store %arg6[%swap3A_130], %and3A_129 {strides = array<i32>} : memref<80xi32, #tpu.memory_space<vmem>>, vector<16xi32>,
      %shift_right_logical3A_132 = arith.constant 16 : i32
      %shift_right_logical3A_133 = vector.broadcast %shift_right_logical3A_132 : i32 to vector<16xi32>
      %shift_right_logical3A_134 = arith.shrui %get3A_126, %shift_right_logical3A_133 : vector<16xi32>
      %swap3A_135 = arith.constant 32 : index
      %swap3A_136 = tpu.vector_load %arg7[%swap3A_135] {strides = array<i32>} : memref<80xi32, #tpu.memory_space<vmem>>, vector<16xi32>,
      tpu.vector_store %arg7[%swap3A_135], %shift_right_logical3A_134 {strides = array<i32>} : memref<80xi32, #tpu.memory_space<vmem>>, vector<16xi32>,
      tpu.vector_store_idx %arg14[%shift_right_logical3A_134], %broadcast_in_dim3A_5 {add = true} : memref<10240xi32, #tpu.memory_space<vmem>>[vector<16xi32>], vector<16xi32>,
      %get3A_137 = arith.index_cast %select_n3A_78 : i32 to index
      %get3A_138 = arith.constant 48 : index
      %get3A_139 = tpu.vector_load %arg5[%get3A_137, %get3A_138] {strides = array<i32>} : memref<2x160xi32, #tpu.memory_space<vmem>>, vector<16xi32>,
      %and3A_140 = arith.constant 65535 : i32
      %and3A_141 = vector.broadcast %and3A_140 : i32 to vector<16xi32>
      %and3A_142 = arith.andi %get3A_139, %and3A_141 : vector<16xi32>
      %swap3A_143 = arith.constant 48 : index
      %swap3A_144 = tpu.vector_load %arg6[%swap3A_143] {strides = array<i32>} : memref<80xi32, #tpu.memory_space<vmem>>, vector<16xi32>,
      tpu.vector_store %arg6[%swap3A_143], %and3A_142 {strides = array<i32>} : memref<80xi32, #tpu.memory_space<vmem>>, vector<16xi32>,
      %shift_right_logical3A_145 = arith.constant 16 : i32
      %shift_right_logical3A_146 = vector.broadcast %shift_right_logical3A_145 : i32 to vector<16xi32>
      %shift_right_logical3A_147 = arith.shrui %get3A_139, %shift_right_logical3A_146 : vector<16xi32>
      %swap3A_148 = arith.constant 48 : index
      %swap3A_149 = tpu.vector_load %arg7[%swap3A_148] {strides = array<i32>} : memref<80xi32, #tpu.memory_space<vmem>>, vector<16xi32>,
      tpu.vector_store %arg7[%swap3A_148], %shift_right_logical3A_147 {strides = array<i32>} : memref<80xi32, #tpu.memory_space<vmem>>, vector<16xi32>,
      tpu.vector_store_idx %arg14[%shift_right_logical3A_147], %broadcast_in_dim3A_5 {add = true} : memref<10240xi32, #tpu.memory_space<vmem>>[vector<16xi32>], vector<16xi32>,
      %get3A_150 = arith.index_cast %select_n3A_78 : i32 to index
      %get3A_151 = arith.constant 64 : index
      %get3A_152 = tpu.vector_load %arg5[%get3A_150, %get3A_151] {strides = array<i32>} : memref<2x160xi32, #tpu.memory_space<vmem>>, vector<16xi32>,
      %and3A_153 = arith.constant 65535 : i32
      %and3A_154 = vector.broadcast %and3A_153 : i32 to vector<16xi32>
      %and3A_155 = arith.andi %get3A_152, %and3A_154 : vector<16xi32>
      %swap3A_156 = arith.constant 64 : index
      %swap3A_157 = tpu.vector_load %arg6[%swap3A_156] {strides = array<i32>} : memref<80xi32, #tpu.memory_space<vmem>>, vector<16xi32>,
      tpu.vector_store %arg6[%swap3A_156], %and3A_155 {strides = array<i32>} : memref<80xi32, #tpu.memory_space<vmem>>, vector<16xi32>,
      %shift_right_logical3A_158 = arith.constant 16 : i32
      %shift_right_logical3A_159 = vector.broadcast %shift_right_logical3A_158 : i32 to vector<16xi32>
      %shift_right_logical3A_160 = arith.shrui %get3A_152, %shift_right_logical3A_159 : vector<16xi32>
      %swap3A_161 = arith.constant 64 : index
      %swap3A_162 = tpu.vector_load %arg7[%swap3A_161] {strides = array<i32>} : memref<80xi32, #tpu.memory_space<vmem>>, vector<16xi32>,
      tpu.vector_store %arg7[%swap3A_161], %shift_right_logical3A_160 {strides = array<i32>} : memref<80xi32, #tpu.memory_space<vmem>>, vector<16xi32>,
      tpu.vector_store_idx %arg14[%shift_right_logical3A_160], %broadcast_in_dim3A_5 {add = true} : memref<10240xi32, #tpu.memory_space<vmem>>[vector<16xi32>], vector<16xi32>,
      %dma_start3A_163 = arith.constant 0 : i32
      %dma_start3A_164 = arith.constant 0 : i32
      %dma_start3A_165 = tpu.memref_slice %arg2[%dma_start3A_163, %dma_start3A_164] : memref<10000x128xf32, #tpu.memory_space<hbm>> -> memref<10000x128xf32, #tpu.memory_space<hbm>>
      tpu.enqueue_indirect_dma source(%dma_start3A_165 : memref<10000x128xf32, #tpu.memory_space<hbm>>) target(%arg10 : memref<80x128xf32, #tpu.memory_space<vmem>>) offsets(%arg6 : memref<80xi32, #tpu.memory_space<vmem>>) semaphore(%arg16 : memref<!tpu.dma_semaphore, #tpu.memory_space<semaphore_mem>>)
      %lt3A_166 = arith.constant 62 : i32
      %lt3A_167 = arith.cmpi slt, %scan3A_68, %lt3A_166 : i32
      %convert_element_type3A_168 = arith.extui %lt3A_167 : i1 to i32
      %cond3A_169 = arith.constant 0 : i32
      %cond3A_170 = arith.cmpi ne, %convert_element_type3A_168, %cond3A_169 : i32
      scf.if %cond3A_170 {
        %get3A_190 = arith.index_cast %select_n3A_78 : i32 to index
        %get3A_191 = arith.constant 80 : index
        %get3A_192 = tpu.vector_load %arg5[%get3A_190, %get3A_191] {strides = array<i32>} : memref<2x160xi32, #tpu.memory_space<vmem>>, vector<16xi32>,
        %and3A_193 = arith.constant 65535 : i32
        %and3A_194 = vector.broadcast %and3A_193 : i32 to vector<16xi32>
        %and3A_195 = arith.andi %get3A_192, %and3A_194 : vector<16xi32>
        %swap3A_196 = arith.constant 0 : index
        %swap3A_197 = tpu.vector_load %arg8[%swap3A_196] {strides = array<i32>} : memref<80xi32, #tpu.memory_space<vmem>>, vector<16xi32>,
        tpu.vector_store %arg8[%swap3A_196], %and3A_195 {strides = array<i32>} : memref<80xi32, #tpu.memory_space<vmem>>, vector<16xi32>,
        %shift_right_logical3A_198 = arith.constant 16 : i32
        %shift_right_logical3A_199 = vector.broadcast %shift_right_logical3A_198 : i32 to vector<16xi32>
        %shift_right_logical3A_200 = arith.shrui %get3A_192, %shift_right_logical3A_199 : vector<16xi32>
        %swap3A_201 = arith.constant 0 : index
        %swap3A_202 = tpu.vector_load %arg9[%swap3A_201] {strides = array<i32>} : memref<80xi32, #tpu.memory_space<vmem>>, vector<16xi32>,
        tpu.vector_store %arg9[%swap3A_201], %shift_right_logical3A_200 {strides = array<i32>} : memref<80xi32, #tpu.memory_space<vmem>>, vector<16xi32>,
        tpu.vector_store_idx %arg14[%shift_right_logical3A_200], %broadcast_in_dim3A_5 {add = true} : memref<10240xi32, #tpu.memory_space<vmem>>[vector<16xi32>], vector<16xi32>,
        %get3A_203 = arith.index_cast %select_n3A_78 : i32 to index
        %get3A_204 = arith.constant 96 : index
        %get3A_205 = tpu.vector_load %arg5[%get3A_203, %get3A_204] {strides = array<i32>} : memref<2x160xi32, #tpu.memory_space<vmem>>, vector<16xi32>,
        %and3A_206 = arith.constant 65535 : i32
        %and3A_207 = vector.broadcast %and3A_206 : i32 to vector<16xi32>
        %and3A_208 = arith.andi %get3A_205, %and3A_207 : vector<16xi32>
        %swap3A_209 = arith.constant 16 : index
        %swap3A_210 = tpu.vector_load %arg8[%swap3A_209] {strides = array<i32>} : memref<80xi32, #tpu.memory_space<vmem>>, vector<16xi32>,
        tpu.vector_store %arg8[%swap3A_209], %and3A_208 {strides = array<i32>} : memref<80xi32, #tpu.memory_space<vmem>>, vector<16xi32>,
        %shift_right_logical3A_211 = arith.constant 16 : i32
        %shift_right_logical3A_212 = vector.broadcast %shift_right_logical3A_211 : i32 to vector<16xi32>
        %shift_right_logical3A_213 = arith.shrui %get3A_205, %shift_right_logical3A_212 : vector<16xi32>
        %swap3A_214 = arith.constant 16 : index
        %swap3A_215 = tpu.vector_load %arg9[%swap3A_214] {strides = array<i32>} : memref<80xi32, #tpu.memory_space<vmem>>, vector<16xi32>,
        tpu.vector_store %arg9[%swap3A_214], %shift_right_logical3A_213 {strides = array<i32>} : memref<80xi32, #tpu.memory_space<vmem>>, vector<16xi32>,
        tpu.vector_store_idx %arg14[%shift_right_logical3A_213], %broadcast_in_dim3A_5 {add = true} : memref<10240xi32, #tpu.memory_space<vmem>>[vector<16xi32>], vector<16xi32>,
        %get3A_216 = arith.index_cast %select_n3A_78 : i32 to index
        %get3A_217 = arith.constant 112 : index
        %get3A_218 = tpu.vector_load %arg5[%get3A_216, %get3A_217] {strides = array<i32>} : memref<2x160xi32, #tpu.memory_space<vmem>>, vector<16xi32>,
        %and3A_219 = arith.constant 65535 : i32
        %and3A_220 = vector.broadcast %and3A_219 : i32 to vector<16xi32>
        %and3A_221 = arith.andi %get3A_218, %and3A_220 : vector<16xi32>
        %swap3A_222 = arith.constant 32 : index
        %swap3A_223 = tpu.vector_load %arg8[%swap3A_222] {strides = array<i32>} : memref<80xi32, #tpu.memory_space<vmem>>, vector<16xi32>,
        tpu.vector_store %arg8[%swap3A_222], %and3A_221 {strides = array<i32>} : memref<80xi32, #tpu.memory_space<vmem>>, vector<16xi32>,
        %shift_right_logical3A_224 = arith.constant 16 : i32
        %shift_right_logical3A_225 = vector.broadcast %shift_right_logical3A_224 : i32 to vector<16xi32>
        %shift_right_logical3A_226 = arith.shrui %get3A_218, %shift_right_logical3A_225 : vector<16xi32>
        %swap3A_227 = arith.constant 32 : index
        %swap3A_228 = tpu.vector_load %arg9[%swap3A_227] {strides = array<i32>} : memref<80xi32, #tpu.memory_space<vmem>>, vector<16xi32>,
        tpu.vector_store %arg9[%swap3A_227], %shift_right_logical3A_226 {strides = array<i32>} : memref<80xi32, #tpu.memory_space<vmem>>, vector<16xi32>,
        tpu.vector_store_idx %arg14[%shift_right_logical3A_226], %broadcast_in_dim3A_5 {add = true} : memref<10240xi32, #tpu.memory_space<vmem>>[vector<16xi32>], vector<16xi32>,
        %get3A_229 = arith.index_cast %select_n3A_78 : i32 to index
        %get3A_230 = arith.constant 128 : index
        %get3A_231 = tpu.vector_load %arg5[%get3A_229, %get3A_230] {strides = array<i32>} : memref<2x160xi32, #tpu.memory_space<vmem>>, vector<16xi32>,
        %and3A_232 = arith.constant 65535 : i32
        %and3A_233 = vector.broadcast %and3A_232 : i32 to vector<16xi32>
        %and3A_234 = arith.andi %get3A_231, %and3A_233 : vector<16xi32>
        %swap3A_235 = arith.constant 48 : index
        %swap3A_236 = tpu.vector_load %arg8[%swap3A_235] {strides = array<i32>} : memref<80xi32, #tpu.memory_space<vmem>>, vector<16xi32>,
        tpu.vector_store %arg8[%swap3A_235], %and3A_234 {strides = array<i32>} : memref<80xi32, #tpu.memory_space<vmem>>, vector<16xi32>,
        %shift_right_logical3A_237 = arith.constant 16 : i32
        %shift_right_logical3A_238 = vector.broadcast %shift_right_logical3A_237 : i32 to vector<16xi32>
        %shift_right_logical3A_239 = arith.shrui %get3A_231, %shift_right_logical3A_238 : vector<16xi32>
        %swap3A_240 = arith.constant 48 : index
        %swap3A_241 = tpu.vector_load %arg9[%swap3A_240] {strides = array<i32>} : memref<80xi32, #tpu.memory_space<vmem>>, vector<16xi32>,
        tpu.vector_store %arg9[%swap3A_240], %shift_right_logical3A_239 {strides = array<i32>} : memref<80xi32, #tpu.memory_space<vmem>>, vector<16xi32>,
        tpu.vector_store_idx %arg14[%shift_right_logical3A_239], %broadcast_in_dim3A_5 {add = true} : memref<10240xi32, #tpu.memory_space<vmem>>[vector<16xi32>], vector<16xi32>,
        %get3A_242 = arith.index_cast %select_n3A_78 : i32 to index
        %get3A_243 = arith.constant 144 : index
        %get3A_244 = tpu.vector_load %arg5[%get3A_242, %get3A_243] {strides = array<i32>} : memref<2x160xi32, #tpu.memory_space<vmem>>, vector<16xi32>,
        %and3A_245 = arith.constant 65535 : i32
        %and3A_246 = vector.broadcast %and3A_245 : i32 to vector<16xi32>
        %and3A_247 = arith.andi %get3A_244, %and3A_246 : vector<16xi32>
        %swap3A_248 = arith.constant 64 : index
        %swap3A_249 = tpu.vector_load %arg8[%swap3A_248] {strides = array<i32>} : memref<80xi32, #tpu.memory_space<vmem>>, vector<16xi32>,
        tpu.vector_store %arg8[%swap3A_248], %and3A_247 {strides = array<i32>} : memref<80xi32, #tpu.memory_space<vmem>>, vector<16xi32>,
        %shift_right_logical3A_250 = arith.constant 16 : i32
        %shift_right_logical3A_251 = vector.broadcast %shift_right_logical3A_250 : i32 to vector<16xi32>
        %shift_right_logical3A_252 = arith.shrui %get3A_244, %shift_right_logical3A_251 : vector<16xi32>
        %swap3A_253 = arith.constant 64 : index
        %swap3A_254 = tpu.vector_load %arg9[%swap3A_253] {strides = array<i32>} : memref<80xi32, #tpu.memory_space<vmem>>, vector<16xi32>,
        tpu.vector_store %arg9[%swap3A_253], %shift_right_logical3A_252 {strides = array<i32>} : memref<80xi32, #tpu.memory_space<vmem>>, vector<16xi32>,
        tpu.vector_store_idx %arg14[%shift_right_logical3A_252], %broadcast_in_dim3A_5 {add = true} : memref<10240xi32, #tpu.memory_space<vmem>>[vector<16xi32>], vector<16xi32>,
        %dma_start3A_255 = arith.constant 0 : i32
        %dma_start3A_256 = arith.constant 0 : i32
        %dma_start3A_257 = tpu.memref_slice %arg2[%dma_start3A_255, %dma_start3A_256] : memref<10000x128xf32, #tpu.memory_space<hbm>> -> memref<10000x128xf32, #tpu.memory_space<hbm>>
        tpu.enqueue_indirect_dma source(%dma_start3A_257 : memref<10000x128xf32, #tpu.memory_space<hbm>>) target(%arg11 : memref<80x128xf32, #tpu.memory_space<vmem>>) offsets(%arg8 : memref<80xi32, #tpu.memory_space<vmem>>) semaphore(%arg17 : memref<!tpu.dma_semaphore, #tpu.memory_space<semaphore_mem>>)
      } else {
      }
      %eq3A_171 = arith.constant 62 : i32
      %eq3A_172 = arith.cmpi eq, %scan3A_68, %eq3A_171 : i32
      %convert_element_type3A_173 = arith.extui %eq3A_172 : i1 to i32
      %cond3A_174 = arith.constant 0 : i32
      %cond3A_175 = arith.cmpi ne, %convert_element_type3A_173, %cond3A_174 : i32
      scf.if %cond3A_175 {
        %add3A_190 = arith.constant 10240 : i32
        %add3A_191 = vector.broadcast %add3A_190 : i32 to vector<16xi32>
        %add3A_192 = arith.addi %add3A_191, %iota3A : vector<16xi32>
        %swap3A_193 = arith.constant 0 : index
        %swap3A_194 = tpu.vector_load %arg9[%swap3A_193] {strides = array<i32>} : memref<80xi32, #tpu.memory_space<vmem>>, vector<16xi32>,
        tpu.vector_store %arg9[%swap3A_193], %add3A_192 {strides = array<i32>} : memref<80xi32, #tpu.memory_space<vmem>>, vector<16xi32>,
        %add3A_195 = arith.constant 10256 : i32
        %add3A_196 = vector.broadcast %add3A_195 : i32 to vector<16xi32>
        %add3A_197 = arith.addi %add3A_196, %iota3A : vector<16xi32>
        %swap3A_198 = arith.constant 16 : index
        %swap3A_199 = tpu.vector_load %arg9[%swap3A_198] {strides = array<i32>} : memref<80xi32, #tpu.memory_space<vmem>>, vector<16xi32>,
        tpu.vector_store %arg9[%swap3A_198], %add3A_197 {strides = array<i32>} : memref<80xi32, #tpu.memory_space<vmem>>, vector<16xi32>,
        %add3A_200 = arith.constant 10272 : i32
        %add3A_201 = vector.broadcast %add3A_200 : i32 to vector<16xi32>
        %add3A_202 = arith.addi %add3A_201, %iota3A : vector<16xi32>
        %swap3A_203 = arith.constant 32 : index
        %swap3A_204 = tpu.vector_load %arg9[%swap3A_203] {strides = array<i32>} : memref<80xi32, #tpu.memory_space<vmem>>, vector<16xi32>,
        tpu.vector_store %arg9[%swap3A_203], %add3A_202 {strides = array<i32>} : memref<80xi32, #tpu.memory_space<vmem>>, vector<16xi32>,
        %add3A_205 = arith.constant 10288 : i32
        %add3A_206 = vector.broadcast %add3A_205 : i32 to vector<16xi32>
        %add3A_207 = arith.addi %add3A_206, %iota3A : vector<16xi32>
        %swap3A_208 = arith.constant 48 : index
        %swap3A_209 = tpu.vector_load %arg9[%swap3A_208] {strides = array<i32>} : memref<80xi32, #tpu.memory_space<vmem>>, vector<16xi32>,
        tpu.vector_store %arg9[%swap3A_208], %add3A_207 {strides = array<i32>} : memref<80xi32, #tpu.memory_space<vmem>>, vector<16xi32>,
        %add3A_210 = arith.constant 10304 : i32
        %add3A_211 = vector.broadcast %add3A_210 : i32 to vector<16xi32>
        %add3A_212 = arith.addi %add3A_211, %iota3A : vector<16xi32>
        %swap3A_213 = arith.constant 64 : index
        %swap3A_214 = tpu.vector_load %arg9[%swap3A_213] {strides = array<i32>} : memref<80xi32, #tpu.memory_space<vmem>>, vector<16xi32>,
        tpu.vector_store %arg9[%swap3A_213], %add3A_212 {strides = array<i32>} : memref<80xi32, #tpu.memory_space<vmem>>, vector<16xi32>,
        %scan3A_215 = arith.constant 0 : i32
        %scan3A_216 = arith.constant 0 : i32
        %scan3A_217 = arith.constant 640 : i32
        %scan3A_218 = arith.addi %scan3A_216, %scan3A_217 : i32
        %scan3A_219 = arith.constant 1 : i32
        scf.for %scan3A_221 = %scan3A_216 to %scan3A_218 step %scan3A_219  : i32 {
          %mul3A_222 = arith.constant 16 : i32
          %mul3A_223 = arith.muli %scan3A_221, %mul3A_222 : i32
          %get3A_224 = arith.index_cast %mul3A_223 : i32 to index
          %get3A_225 = tpu.vector_load %arg14[%get3A_224] {strides = array<i32>} : memref<10240xi32, #tpu.memory_space<vmem>>, vector<16xi32>,
          %convert_element_type3A_226 = arith.sitofp %get3A_225 : vector<16xi32> to vector<16xf32>
          %jit3A_227 = arith.constant 8 : i32
          %div3A = arith.divsi %scan3A_221, %jit3A_227 : i32
          %sign3A = arith.constant 0 : i32
          %sign3A_228 = arith.cmpi sgt, %scan3A_221, %sign3A : i32
          %sign3A_229 = arith.extui %sign3A_228 : i1 to i32
          %sign3A_230 = arith.constant 0 : i32
          %sign3A_231 = arith.cmpi slt, %scan3A_221, %sign3A_230 : i32
          %sign3A_232 = arith.extui %sign3A_231 : i1 to i32
          %sign3A_233 = arith.subi %sign3A_229, %sign3A_232 : i32
          %sign3A_234 = arith.constant 0 : i32
          %sign3A_235 = arith.cmpi sgt, %jit3A_227, %sign3A_234 : i32
          %sign3A_236 = arith.extui %sign3A_235 : i1 to i32
          %sign3A_237 = arith.constant 0 : i32
          %sign3A_238 = arith.cmpi slt, %jit3A_227, %sign3A_237 : i32
          %sign3A_239 = arith.extui %sign3A_238 : i1 to i32
          %sign3A_240 = arith.subi %sign3A_236, %sign3A_239 : i32
          %ne3A_241 = arith.cmpi ne, %sign3A_233, %sign3A_240 : i32
          %rem3A_242 = arith.remsi %scan3A_221, %jit3A_227 : i32
          %ne3A_243 = arith.constant 0 : i32
          %ne3A_244 = arith.cmpi ne, %rem3A_242, %ne3A_243 : i32
          %and3A_245 = arith.andi %ne3A_241, %ne3A_244 : i1
          %sub3A = arith.constant 1 : i32
          %sub3A_246 = arith.subi %div3A, %sub3A : i32
          %select_n3A_247 = arith.select %and3A_245, %sub3A_246, %div3A : i32
          %jit3A_248 = arith.constant 8 : i32
          %eq3A_249 = arith.constant 0 : i32
          %eq3A_250 = arith.cmpi eq, %jit3A_248, %eq3A_249 : i32
          %jit3A_251 = arith.constant 1 : i32
          %select_n3A_252 = arith.select %eq3A_250, %jit3A_251, %jit3A_248 : i32
          %rem3A_253 = arith.remsi %scan3A_221, %select_n3A_252 : i32
          %ne3A_254 = arith.constant 0 : i32
          %ne3A_255 = arith.cmpi ne, %rem3A_253, %ne3A_254 : i32
          %lt3A_256 = arith.constant 0 : i32
          %lt3A_257 = arith.cmpi slt, %rem3A_253, %lt3A_256 : i32
          %lt3A_258 = arith.constant 0 : i32
          %lt3A_259 = arith.cmpi slt, %select_n3A_252, %lt3A_258 : i32
          %ne3A_260 = arith.xori %lt3A_257, %lt3A_259 : i1
          %and3A_261 = arith.andi %ne3A_260, %ne3A_255 : i1
          %add3A_262 = arith.addi %rem3A_253, %select_n3A_252 : i32
          %select_n3A_263 = arith.select %and3A_261, %add3A_262, %rem3A_253 : i32
          %mul3A_264 = arith.constant 16 : i32
          %mul3A_265 = arith.muli %select_n3A_263, %mul3A_264 : i32
          %swap3A_266 = arith.index_cast %select_n3A_247 : i32 to index
          %swap3A_267 = arith.index_cast %mul3A_265 : i32 to index
          %swap3A_268 = tpu.vector_load %arg11[%swap3A_266, %swap3A_267] {strides = array<i32>} : memref<80x128xf32, #tpu.memory_space<vmem>>, vector<16xf32>,
          tpu.vector_store %arg11[%swap3A_266, %swap3A_267], %convert_element_type3A_226 {strides = array<i32>} : memref<80x128xf32, #tpu.memory_space<vmem>>, vector<16xf32>,
        }
        %scan3A_220 = arith.constant 640 : i32
      } else {
      }
      %dma_wait3A_176 = arith.constant 0 : i32
      %dma_wait3A_177 = arith.constant 0 : i32
      %dma_wait3A_178 = tpu.memref_slice %arg2[%dma_wait3A_176, %dma_wait3A_177] : memref<10000x128xf32, #tpu.memory_space<hbm>> -> memref<10000x128xf32, #tpu.memory_space<hbm>>
      tpu.wait_indirect_dma semaphore(%arg16 : memref<!tpu.dma_semaphore, #tpu.memory_space<semaphore_mem>>) src(%dma_wait3A_178 : memref<10000x128xf32, #tpu.memory_space<hbm>>) dst(%arg10 : memref<80x128xf32, #tpu.memory_space<vmem>>)
      %dma_start3A_179 = arith.constant 0 : i32
      %dma_start3A_180 = arith.constant 0 : i32
      %dma_start3A_181 = tpu.memref_slice %arg15[%dma_start3A_179, %dma_start3A_180] : memref<10320x128xf32, #tpu.memory_space<vmem_shared>> -> memref<10320x128xf32, #tpu.memory_space<vmem_shared>>
      tpu.enqueue_indirect_dma source(%arg10 : memref<80x128xf32, #tpu.memory_space<vmem>>) target(%dma_start3A_181 : memref<10320x128xf32, #tpu.memory_space<vmem_shared>>) offsets(%arg7 : memref<80xi32, #tpu.memory_space<vmem>>) semaphore(%arg20 : memref<!tpu.dma_semaphore, #tpu.memory_space<semaphore_mem>>) {add = true}
      %lt3A_182 = arith.constant 62 : i32
      %lt3A_183 = arith.cmpi slt, %scan3A_68, %lt3A_182 : i32
      %convert_element_type3A_184 = arith.extui %lt3A_183 : i1 to i32
      %cond3A_185 = arith.constant 0 : i32
      %cond3A_186 = arith.cmpi ne, %convert_element_type3A_184, %cond3A_185 : i32
      scf.if %cond3A_186 {
        %dma_wait3A_190 = arith.constant 0 : i32
        %dma_wait3A_191 = arith.constant 0 : i32
        %dma_wait3A_192 = tpu.memref_slice %arg2[%dma_wait3A_190, %dma_wait3A_191] : memref<10000x128xf32, #tpu.memory_space<hbm>> -> memref<80x128xf32, #tpu.memory_space<hbm>>
        %dma_wait3A_193 = arith.constant 0 : i32
        %dma_wait3A_194 = arith.constant 0 : i32
        %dma_wait3A_195 = tpu.memref_slice %arg2[%dma_wait3A_193, %dma_wait3A_194] : memref<10000x128xf32, #tpu.memory_space<hbm>> -> memref<80x128xf32, #tpu.memory_space<hbm>>
        tpu.wait_dma2 semaphore(%arg17 : memref<!tpu.dma_semaphore, #tpu.memory_space<semaphore_mem>>) src(%dma_wait3A_195 : memref<80x128xf32, #tpu.memory_space<hbm>>) dst(%arg11 : memref<80x128xf32, #tpu.memory_space<vmem>>)
      } else {
      }
      %dma_start3A_187 = arith.constant 0 : i32
      %dma_start3A_188 = arith.constant 0 : i32
      %dma_start3A_189 = tpu.memref_slice %arg15[%dma_start3A_187, %dma_start3A_188] : memref<10320x128xf32, #tpu.memory_space<vmem_shared>> -> memref<10320x128xf32, #tpu.memory_space<vmem_shared>>
      tpu.enqueue_indirect_dma source(%arg11 : memref<80x128xf32, #tpu.memory_space<vmem>>) target(%dma_start3A_189 : memref<10320x128xf32, #tpu.memory_space<vmem_shared>>) offsets(%arg9 : memref<80xi32, #tpu.memory_space<vmem>>) semaphore(%arg19 : memref<!tpu.dma_semaphore, #tpu.memory_space<semaphore_mem>>) {add = true}
    }
    %scan3A_47 = arith.constant 63 : i32
    %dma_wait3A = arith.constant 0 : i32
    %dma_wait3A_48 = arith.constant 0 : i32
    %dma_wait3A_49 = tpu.memref_slice %arg15[%dma_wait3A, %dma_wait3A_48] : memref<10320x128xf32, #tpu.memory_space<vmem_shared>> -> memref<80x128xf32, #tpu.memory_space<vmem_shared>>
    %dma_wait3A_50 = arith.constant 0 : i32
    %dma_wait3A_51 = arith.constant 0 : i32
    %dma_wait3A_52 = tpu.memref_slice %arg15[%dma_wait3A_50, %dma_wait3A_51] : memref<10320x128xf32, #tpu.memory_space<vmem_shared>> -> memref<80x128xf32, #tpu.memory_space<vmem_shared>>
    tpu.wait_dma2 semaphore(%arg19 : memref<!tpu.dma_semaphore, #tpu.memory_space<semaphore_mem>>) src(%arg11 : memref<80x128xf32, #tpu.memory_space<vmem>>) dst(%dma_wait3A_52 : memref<80x128xf32, #tpu.memory_space<vmem_shared>>)
    %dma_wait3A_53 = arith.constant 0 : i32
    %dma_wait3A_54 = arith.constant 0 : i32
    %dma_wait3A_55 = tpu.memref_slice %arg15[%dma_wait3A_53, %dma_wait3A_54] : memref<10320x128xf32, #tpu.memory_space<vmem_shared>> -> memref<80x128xf32, #tpu.memory_space<vmem_shared>>
    %dma_wait3A_56 = arith.constant 0 : i32
    %dma_wait3A_57 = arith.constant 0 : i32
    %dma_wait3A_58 = tpu.memref_slice %arg15[%dma_wait3A_56, %dma_wait3A_57] : memref<10320x128xf32, #tpu.memory_space<vmem_shared>> -> memref<80x128xf32, #tpu.memory_space<vmem_shared>>
    tpu.wait_dma2 semaphore(%arg20 : memref<!tpu.dma_semaphore, #tpu.memory_space<semaphore_mem>>) src(%arg10 : memref<80x128xf32, #tpu.memory_space<vmem>>) dst(%dma_wait3A_58 : memref<80x128xf32, #tpu.memory_space<vmem_shared>>)
    %barrier3A_59 = arith.constant 0 : index
    tpu.barrier barrier_id(%barrier3A_59)
    %scan3A_60 = arith.constant 0 : i32
    %scan3A_61 = arith.constant 0 : i32
    %scan3A_62 = arith.constant 8 : i32
    %scan3A_63 = arith.addi %scan3A_61, %scan3A_62 : i32
    %scan3A_64 = arith.constant 1 : i32
    scf.for %scan3A_68 = %scan3A_61 to %scan3A_63 step %scan3A_64  : i32 {
      %mul3A_69 = arith.constant 80 : i32
      %mul3A_70 = arith.muli %scan3A_68, %mul3A_69 : i32
      %add3A_71 = arith.addi %mul3A_18, %mul3A_70 : i32
      "tpu.region"() ({
        %run_scoped3A = tpu.sem_alloc : memref<!tpu.dma_semaphore, #tpu.memory_space<semaphore_mem>>
        %dma_start3A_72 = arith.constant 0 : i32
        %dma_start3A_73 = tpu.memref_slice %arg15[%add3A_71, %dma_start3A_72] : memref<10320x128xf32, #tpu.memory_space<vmem_shared>> -> memref<80x128xf32, #tpu.memory_space<vmem_shared>>
        %dma_start3A_74 = arith.constant 0 : i32
        %dma_start3A_75 = tpu.memref_slice %arg15[%add3A_71, %dma_start3A_74] : memref<10320x128xf32, #tpu.memory_space<vmem_shared>> -> memref<80x128xf32, #tpu.memory_space<vmem_shared>>
        tpu.enqueue_dma source(%dma_start3A_75 : memref<80x128xf32, #tpu.memory_space<vmem_shared>>) target(%arg12 : memref<80x128xf32, #tpu.memory_space<vmem>>) target_semaphore(%run_scoped3A : memref<!tpu.dma_semaphore, #tpu.memory_space<semaphore_mem>>)
        %dma_wait3A_76 = arith.constant 0 : i32
        %dma_wait3A_77 = tpu.memref_slice %arg15[%add3A_71, %dma_wait3A_76] : memref<10320x128xf32, #tpu.memory_space<vmem_shared>> -> memref<80x128xf32, #tpu.memory_space<vmem_shared>>
        %dma_wait3A_78 = arith.constant 0 : i32
        %dma_wait3A_79 = tpu.memref_slice %arg15[%add3A_71, %dma_wait3A_78] : memref<10320x128xf32, #tpu.memory_space<vmem_shared>> -> memref<80x128xf32, #tpu.memory_space<vmem_shared>>
        tpu.wait_dma2 semaphore(%run_scoped3A : memref<!tpu.dma_semaphore, #tpu.memory_space<semaphore_mem>>) src(%dma_wait3A_79 : memref<80x128xf32, #tpu.memory_space<vmem_shared>>) dst(%arg12 : memref<80x128xf32, #tpu.memory_space<vmem>>)
        tpu.yield
      }) : () -> ()
      "tpu.region"() ({
        %run_scoped3A = tpu.sem_alloc : memref<!tpu.dma_semaphore, #tpu.memory_space<semaphore_mem>>
        %dma_start3A_72 = arith.constant 0 : i32
        %dma_start3A_73 = tpu.memref_slice %arg4[%arg0, %add3A_71, %dma_start3A_72] : memref<2x10320x128xf32, #tpu.memory_space<hbm>> -> memref<1x80x128xf32, #tpu.memory_space<hbm>>
        %dma_start3A_74 = tpu.memref_squeeze %dma_start3A_73 : memref<1x80x128xf32, #tpu.memory_space<hbm>> -> memref<80x128xf32, #tpu.memory_space<hbm>>
        %dma_start3A_75 = arith.constant 0 : i32
        %dma_start3A_76 = tpu.memref_slice %arg4[%arg0, %add3A_71, %dma_start3A_75] : memref<2x10320x128xf32, #tpu.memory_space<hbm>> -> memref<1x80x128xf32, #tpu.memory_space<hbm>>
        %dma_start3A_77 = tpu.memref_squeeze %dma_start3A_76 : memref<1x80x128xf32, #tpu.memory_space<hbm>> -> memref<80x128xf32, #tpu.memory_space<hbm>>
        tpu.enqueue_dma source(%arg12 : memref<80x128xf32, #tpu.memory_space<vmem>>) target(%dma_start3A_77 : memref<80x128xf32, #tpu.memory_space<hbm>>) target_semaphore(%run_scoped3A : memref<!tpu.dma_semaphore, #tpu.memory_space<semaphore_mem>>)
        %dma_wait3A_78 = arith.constant 0 : i32
        %dma_wait3A_79 = tpu.memref_slice %arg4[%arg0, %add3A_71, %dma_wait3A_78] : memref<2x10320x128xf32, #tpu.memory_space<hbm>> -> memref<1x80x128xf32, #tpu.memory_space<hbm>>
        %dma_wait3A_80 = tpu.memref_squeeze %dma_wait3A_79 : memref<1x80x128xf32, #tpu.memory_space<hbm>> -> memref<80x128xf32, #tpu.memory_space<hbm>>
        %dma_wait3A_81 = arith.constant 0 : i32
        %dma_wait3A_82 = tpu.memref_slice %arg4[%arg0, %add3A_71, %dma_wait3A_81] : memref<2x10320x128xf32, #tpu.memory_space<hbm>> -> memref<1x80x128xf32, #tpu.memory_space<hbm>>
        %dma_wait3A_83 = tpu.memref_squeeze %dma_wait3A_82 : memref<1x80x128xf32, #tpu.memory_space<hbm>> -> memref<80x128xf32, #tpu.memory_space<hbm>>
        tpu.wait_dma2 semaphore(%run_scoped3A : memref<!tpu.dma_semaphore, #tpu.memory_space<semaphore_mem>>) src(%arg12 : memref<80x128xf32, #tpu.memory_space<vmem>>) dst(%dma_wait3A_83 : memref<80x128xf32, #tpu.memory_space<hbm>>)
        tpu.yield
      }) : () -> ()
    }
    %scan3A_65 = arith.constant 8 : i32
    %lt3A = arith.constant 10 : i32
    %lt3A_66 = arith.cmpi slt, %arg1, %lt3A : i32
    %convert_element_type3A = arith.extui %lt3A_66 : i1 to i32
    %cond3A = arith.constant 0 : i32
    %cond3A_67 = arith.cmpi ne, %convert_element_type3A, %cond3A : i32
    scf.if %cond3A_67 {
      %mul3A_68 = arith.constant 8 : i32
      %mul3A_69 = arith.muli %mul3A_68, %arg1 : i32
      %add3A_70 = arith.constant 10240 : i32
      %add3A_71 = arith.addi %add3A_70, %mul3A_69 : i32
      "tpu.region"() ({
        %run_scoped3A = tpu.sem_alloc : memref<!tpu.dma_semaphore, #tpu.memory_space<semaphore_mem>>
        %dma_start3A_76 = arith.constant 0 : i32
        %dma_start3A_77 = tpu.memref_slice %arg15[%add3A_71, %dma_start3A_76] : memref<10320x128xf32, #tpu.memory_space<vmem_shared>> -> memref<8x128xf32, #tpu.memory_space<vmem_shared>>
        %dma_start3A_78 = arith.constant 0 : i32
        %dma_start3A_79 = tpu.memref_slice %arg15[%add3A_71, %dma_start3A_78] : memref<10320x128xf32, #tpu.memory_space<vmem_shared>> -> memref<8x128xf32, #tpu.memory_space<vmem_shared>>
        tpu.enqueue_dma source(%dma_start3A_79 : memref<8x128xf32, #tpu.memory_space<vmem_shared>>) target(%arg13 : memref<8x128xf32, #tpu.memory_space<vmem>>) target_semaphore(%run_scoped3A : memref<!tpu.dma_semaphore, #tpu.memory_space<semaphore_mem>>)
        %dma_wait3A_80 = arith.constant 0 : i32
        %dma_wait3A_81 = tpu.memref_slice %arg15[%add3A_71, %dma_wait3A_80] : memref<10320x128xf32, #tpu.memory_space<vmem_shared>> -> memref<8x128xf32, #tpu.memory_space<vmem_shared>>
        %dma_wait3A_82 = arith.constant 0 : i32
        %dma_wait3A_83 = tpu.memref_slice %arg15[%add3A_71, %dma_wait3A_82] : memref<10320x128xf32, #tpu.memory_space<vmem_shared>> -> memref<8x128xf32, #tpu.memory_space<vmem_shared>>
        tpu.wait_dma2 semaphore(%run_scoped3A : memref<!tpu.dma_semaphore, #tpu.memory_space<semaphore_mem>>) src(%dma_wait3A_83 : memref<8x128xf32, #tpu.memory_space<vmem_shared>>) dst(%arg13 : memref<8x128xf32, #tpu.memory_space<vmem>>)
        tpu.yield
      }) : () -> ()
      %mul3A_72 = arith.constant 8 : i32
      %mul3A_73 = arith.muli %mul3A_72, %arg1 : i32
      %add3A_74 = arith.constant 10240 : i32
      %add3A_75 = arith.addi %add3A_74, %mul3A_73 : i32
      "tpu.region"() ({
        %run_scoped3A = tpu.sem_alloc : memref<!tpu.dma_semaphore, #tpu.memory_space<semaphore_mem>>
        %dma_start3A_76 = arith.constant 0 : i32
        %dma_start3A_77 = tpu.memref_slice %arg4[%arg0, %add3A_75, %dma_start3A_76] : memref<2x10320x128xf32, #tpu.memory_space<hbm>> -> memref<1x8x128xf32, #tpu.memory_space<hbm>>
        %dma_start3A_78 = tpu.memref_squeeze %dma_start3A_77 : memref<1x8x128xf32, #tpu.memory_space<hbm>> -> memref<8x128xf32, #tpu.memory_space<hbm>>
        %dma_start3A_79 = arith.constant 0 : i32
        %dma_start3A_80 = tpu.memref_slice %arg4[%arg0, %add3A_75, %dma_start3A_79] : memref<2x10320x128xf32, #tpu.memory_space<hbm>> -> memref<1x8x128xf32, #tpu.memory_space<hbm>>
        %dma_start3A_81 = tpu.memref_squeeze %dma_start3A_80 : memref<1x8x128xf32, #tpu.memory_space<hbm>> -> memref<8x128xf32, #tpu.memory_space<hbm>>
        tpu.enqueue_dma source(%arg13 : memref<8x128xf32, #tpu.memory_space<vmem>>) target(%dma_start3A_81 : memref<8x128xf32, #tpu.memory_space<hbm>>) target_semaphore(%run_scoped3A : memref<!tpu.dma_semaphore, #tpu.memory_space<semaphore_mem>>)
        %dma_wait3A_82 = arith.constant 0 : i32
        %dma_wait3A_83 = tpu.memref_slice %arg4[%arg0, %add3A_75, %dma_wait3A_82] : memref<2x10320x128xf32, #tpu.memory_space<hbm>> -> memref<1x8x128xf32, #tpu.memory_space<hbm>>
        %dma_wait3A_84 = tpu.memref_squeeze %dma_wait3A_83 : memref<1x8x128xf32, #tpu.memory_space<hbm>> -> memref<8x128xf32, #tpu.memory_space<hbm>>
        %dma_wait3A_85 = arith.constant 0 : i32
        %dma_wait3A_86 = tpu.memref_slice %arg4[%arg0, %add3A_75, %dma_wait3A_85] : memref<2x10320x128xf32, #tpu.memory_space<hbm>> -> memref<1x8x128xf32, #tpu.memory_space<hbm>>
        %dma_wait3A_87 = tpu.memref_squeeze %dma_wait3A_86 : memref<1x8x128xf32, #tpu.memory_space<hbm>> -> memref<8x128xf32, #tpu.memory_space<hbm>>
        tpu.wait_dma2 semaphore(%run_scoped3A : memref<!tpu.dma_semaphore, #tpu.memory_space<semaphore_mem>>) src(%arg13 : memref<8x128xf32, #tpu.memory_space<vmem>>) dst(%dma_wait3A_87 : memref<8x128xf32, #tpu.memory_space<hbm>>)
        tpu.yield
      }) : () -> ()
    } else {
    }
    return
  }
}

#map = affine_map<(d0, d1) -> (0, 0)>
#map1 = affine_map<(d0, d1) -> (0, 0, 0)>
module attributes {stable_mosaic.version = 14 : i64} {
  func.func @agg(%arg0: i32, %arg1: i32, %arg2: memref<10000x128xf32, #tpu.memory_space<hbm>>, %arg3: memref<32x63x160xi32, #tpu.memory_space<hbm>>, %arg4: memref<2x10320x128xf32, #tpu.memory_space<hbm>>, %arg5: memref<2x160xi32, #tpu.memory_space<vmem>>, %arg6: memref<80xi32, #tpu.memory_space<vmem>>, %arg7: memref<80xi32, #tpu.memory_space<vmem>>, %arg8: memref<80xi32, #tpu.memory_space<vmem>>, %arg9: memref<80xi32, #tpu.memory_space<vmem>>, %arg10: memref<80x128xf32, #tpu.memory_space<vmem>>, %arg11: memref<80x128xf32, #tpu.memory_space<vmem>>, %arg12: memref<80x128xf32, #tpu.memory_space<vmem>>, %arg13: memref<8x128xf32, #tpu.memory_space<vmem>>, %arg14: memref<10240xi32, #tpu.memory_space<vmem>>, %arg15: memref<10320x128xf32, #tpu.memory_space<vmem_shared>>, %arg16: memref<!tpu.dma_semaphore, #tpu.memory_space<semaphore_mem>>, %arg17: memref<!tpu.dma_semaphore, #tpu.memory_space<semaphore_mem>>, %arg18: memref<!tpu.dma_semaphore, #tpu.memory_space<semaphore_mem>>, %arg19: memref<!tpu.dma_semaphore, #tpu.memory_space<semaphore_mem>>, %arg20: memref<!tpu.dma_semaphore, #tpu.memory_space<semaphore_mem>>) attributes {dimension_semantics = [#tpu.dimension_semantics<core_parallel>, #tpu.dimension_semantics<subcore_parallel>], iteration_bounds = array<i64: 2, 16>, scalar_prefetch = 0 : i64, scratch_operands = 16 : i64, tpu.core_type = #tpu.core_type<sc_vector_subcore>, window_params = [{transform_indices = #map}, {transform_indices = #map1}, {transform_indices = #map1}]} {
    %mul3A = arith.constant 2 : i32
    %mul3A_0 = arith.muli %arg1, %mul3A : i32
    %add3A = arith.addi %mul3A_0, %arg0 : i32
    %broadcast_in_dim3A = arith.constant 0.000000e+00 : f32
    %broadcast_in_dim3A_1 = vector.broadcast %broadcast_in_dim3A : f32 to vector<16xf32>
    %broadcast_in_dim3A_2 = arith.constant 0 : i32
    %broadcast_in_dim3A_3 = vector.broadcast %broadcast_in_dim3A_2 : i32 to vector<16xi32>
    %broadcast_in_dim3A_4 = arith.constant 1 : i32
    %broadcast_in_dim3A_5 = vector.broadcast %broadcast_in_dim3A_4 : i32 to vector<16xi32>
    %iota3A = tpu.iota {dimensions = array<i32: 0>} : vector<16xi32>
    %scan3A = arith.constant 0 : i32
    %scan3A_6 = arith.constant 0 : i32
    %scan3A_7 = arith.constant 80 : i32
    %scan3A_8 = arith.addi %scan3A_6, %scan3A_7 : i32
    %scan3A_9 = arith.constant 1 : i32
    scf.for %scan3A_68 = %scan3A_6 to %scan3A_8 step %scan3A_9  : i32 {
      %swap3A = arith.index_cast %scan3A_68 : i32 to index
      %swap3A_69 = arith.constant 0 : index
      %swap3A_70 = tpu.vector_load %arg12[%swap3A, %swap3A_69] {strides = array<i32>} : memref<80x128xf32, #tpu.memory_space<vmem>>, vector<16xf32>,
      tpu.vector_store %arg12[%swap3A, %swap3A_69], %broadcast_in_dim3A_1 {strides = array<i32>} : memref<80x128xf32, #tpu.memory_space<vmem>>, vector<16xf32>,
      %swap3A_71 = arith.index_cast %scan3A_68 : i32 to index
      %swap3A_72 = arith.constant 16 : index
      %swap3A_73 = tpu.vector_load %arg12[%swap3A_71, %swap3A_72] {strides = array<i32>} : memref<80x128xf32, #tpu.memory_space<vmem>>, vector<16xf32>,
      tpu.vector_store %arg12[%swap3A_71, %swap3A_72], %broadcast_in_dim3A_1 {strides = array<i32>} : memref<80x128xf32, #tpu.memory_space<vmem>>, vector<16xf32>,
      %swap3A_74 = arith.index_cast %scan3A_68 : i32 to index
      %swap3A_75 = arith.constant 32 : index
      %swap3A_76 = tpu.vector_load %arg12[%swap3A_74, %swap3A_75] {strides = array<i32>} : memref<80x128xf32, #tpu.memory_space<vmem>>, vector<16xf32>,
      tpu.vector_store %arg12[%swap3A_74, %swap3A_75], %broadcast_in_dim3A_1 {strides = array<i32>} : memref<80x128xf32, #tpu.memory_space<vmem>>, vector<16xf32>,
      %swap3A_77 = arith.index_cast %scan3A_68 : i32 to index
      %swap3A_78 = arith.constant 48 : index
      %swap3A_79 = tpu.vector_load %arg12[%swap3A_77, %swap3A_78] {strides = array<i32>} : memref<80x128xf32, #tpu.memory_space<vmem>>, vector<16xf32>,
      tpu.vector_store %arg12[%swap3A_77, %swap3A_78], %broadcast_in_dim3A_1 {strides = array<i32>} : memref<80x128xf32, #tpu.memory_space<vmem>>, vector<16xf32>,
      %swap3A_80 = arith.index_cast %scan3A_68 : i32 to index
      %swap3A_81 = arith.constant 64 : index
      %swap3A_82 = tpu.vector_load %arg12[%swap3A_80, %swap3A_81] {strides = array<i32>} : memref<80x128xf32, #tpu.memory_space<vmem>>, vector<16xf32>,
      tpu.vector_store %arg12[%swap3A_80, %swap3A_81], %broadcast_in_dim3A_1 {strides = array<i32>} : memref<80x128xf32, #tpu.memory_space<vmem>>, vector<16xf32>,
      %swap3A_83 = arith.index_cast %scan3A_68 : i32 to index
      %swap3A_84 = arith.constant 80 : index
      %swap3A_85 = tpu.vector_load %arg12[%swap3A_83, %swap3A_84] {strides = array<i32>} : memref<80x128xf32, #tpu.memory_space<vmem>>, vector<16xf32>,
      tpu.vector_store %arg12[%swap3A_83, %swap3A_84], %broadcast_in_dim3A_1 {strides = array<i32>} : memref<80x128xf32, #tpu.memory_space<vmem>>, vector<16xf32>,
      %swap3A_86 = arith.index_cast %scan3A_68 : i32 to index
      %swap3A_87 = arith.constant 96 : index
      %swap3A_88 = tpu.vector_load %arg12[%swap3A_86, %swap3A_87] {strides = array<i32>} : memref<80x128xf32, #tpu.memory_space<vmem>>, vector<16xf32>,
      tpu.vector_store %arg12[%swap3A_86, %swap3A_87], %broadcast_in_dim3A_1 {strides = array<i32>} : memref<80x128xf32, #tpu.memory_space<vmem>>, vector<16xf32>,
      %swap3A_89 = arith.index_cast %scan3A_68 : i32 to index
      %swap3A_90 = arith.constant 112 : index
      %swap3A_91 = tpu.vector_load %arg12[%swap3A_89, %swap3A_90] {strides = array<i32>} : memref<80x128xf32, #tpu.memory_space<vmem>>, vector<16xf32>,
      tpu.vector_store %arg12[%swap3A_89, %swap3A_90], %broadcast_in_dim3A_1 {strides = array<i32>} : memref<80x128xf32, #tpu.memory_space<vmem>>, vector<16xf32>,
    }
    %scan3A_10 = arith.constant 80 : i32
    %scan3A_11 = arith.constant 0 : i32
    %scan3A_12 = arith.constant 0 : i32
    %scan3A_13 = arith.constant 640 : i32
    %scan3A_14 = arith.addi %scan3A_12, %scan3A_13 : i32
    %scan3A_15 = arith.constant 1 : i32
    scf.for %scan3A_68 = %scan3A_12 to %scan3A_14 step %scan3A_15  : i32 {
      %mul3A_69 = arith.constant 16 : i32
      %mul3A_70 = arith.muli %scan3A_68, %mul3A_69 : i32
      %swap3A = arith.index_cast %mul3A_70 : i32 to index
      %swap3A_71 = tpu.vector_load %arg14[%swap3A] {strides = array<i32>} : memref<10240xi32, #tpu.memory_space<vmem>>, vector<16xi32>,
      tpu.vector_store %arg14[%swap3A], %broadcast_in_dim3A_3 {strides = array<i32>} : memref<10240xi32, #tpu.memory_space<vmem>>, vector<16xi32>,
    }
    %scan3A_16 = arith.constant 640 : i32
    %mul3A_17 = arith.constant 640 : i32
    %mul3A_18 = arith.muli %arg1, %mul3A_17 : i32
    %scan3A_19 = arith.constant 0 : i32
    %scan3A_20 = arith.constant 0 : i32
    %scan3A_21 = arith.constant 8 : i32
    %scan3A_22 = arith.addi %scan3A_20, %scan3A_21 : i32
    %scan3A_23 = arith.constant 1 : i32
    scf.for %scan3A_68 = %scan3A_20 to %scan3A_22 step %scan3A_23  : i32 {
      %mul3A_69 = arith.constant 80 : i32
      %mul3A_70 = arith.muli %scan3A_68, %mul3A_69 : i32
      %add3A_71 = arith.addi %mul3A_18, %mul3A_70 : i32
      "tpu.region"() ({
        %run_scoped3A = tpu.sem_alloc : memref<!tpu.dma_semaphore, #tpu.memory_space<semaphore_mem>>
        %dma_start3A_72 = arith.constant 0 : i32
        %dma_start3A_73 = tpu.memref_slice %arg15[%add3A_71, %dma_start3A_72] : memref<10320x128xf32, #tpu.memory_space<vmem_shared>> -> memref<80x128xf32, #tpu.memory_space<vmem_shared>>
        %dma_start3A_74 = arith.constant 0 : i32
        %dma_start3A_75 = tpu.memref_slice %arg15[%add3A_71, %dma_start3A_74] : memref<10320x128xf32, #tpu.memory_space<vmem_shared>> -> memref<80x128xf32, #tpu.memory_space<vmem_shared>>
        tpu.enqueue_dma source(%arg12 : memref<80x128xf32, #tpu.memory_space<vmem>>) target(%dma_start3A_75 : memref<80x128xf32, #tpu.memory_space<vmem_shared>>) target_semaphore(%run_scoped3A : memref<!tpu.dma_semaphore, #tpu.memory_space<semaphore_mem>>)
        %dma_wait3A_76 = arith.constant 0 : i32
        %dma_wait3A_77 = tpu.memref_slice %arg15[%add3A_71, %dma_wait3A_76] : memref<10320x128xf32, #tpu.memory_space<vmem_shared>> -> memref<80x128xf32, #tpu.memory_space<vmem_shared>>
        %dma_wait3A_78 = arith.constant 0 : i32
        %dma_wait3A_79 = tpu.memref_slice %arg15[%add3A_71, %dma_wait3A_78] : memref<10320x128xf32, #tpu.memory_space<vmem_shared>> -> memref<80x128xf32, #tpu.memory_space<vmem_shared>>
        tpu.wait_dma2 semaphore(%run_scoped3A : memref<!tpu.dma_semaphore, #tpu.memory_space<semaphore_mem>>) src(%arg12 : memref<80x128xf32, #tpu.memory_space<vmem>>) dst(%dma_wait3A_79 : memref<80x128xf32, #tpu.memory_space<vmem_shared>>)
        tpu.yield
      }) : () -> ()
    }
    %scan3A_24 = arith.constant 8 : i32
    %mul3A_25 = arith.constant 8 : i32
    %mul3A_26 = arith.muli %mul3A_25, %arg1 : i32
    %add3A_27 = arith.constant 10240 : i32
    %add3A_28 = arith.addi %add3A_27, %mul3A_26 : i32
    "tpu.region"() ({
      %run_scoped3A = tpu.sem_alloc : memref<!tpu.dma_semaphore, #tpu.memory_space<semaphore_mem>>
      %dma_start3A_68 = arith.constant 0 : i32
      %dma_start3A_69 = arith.constant 0 : i32
      %dma_start3A_70 = tpu.memref_slice %arg12[%dma_start3A_68, %dma_start3A_69] : memref<80x128xf32, #tpu.memory_space<vmem>> -> memref<8x128xf32, #tpu.memory_space<vmem>>
      %dma_start3A_71 = arith.constant 0 : i32
      %dma_start3A_72 = tpu.memref_slice %arg15[%add3A_28, %dma_start3A_71] : memref<10320x128xf32, #tpu.memory_space<vmem_shared>> -> memref<8x128xf32, #tpu.memory_space<vmem_shared>>
      %dma_start3A_73 = arith.constant 0 : i32
      %dma_start3A_74 = tpu.memref_slice %arg15[%add3A_28, %dma_start3A_73] : memref<10320x128xf32, #tpu.memory_space<vmem_shared>> -> memref<8x128xf32, #tpu.memory_space<vmem_shared>>
      %dma_start3A_75 = arith.constant 0 : i32
      %dma_start3A_76 = arith.constant 0 : i32
      %dma_start3A_77 = tpu.memref_slice %arg12[%dma_start3A_75, %dma_start3A_76] : memref<80x128xf32, #tpu.memory_space<vmem>> -> memref<8x128xf32, #tpu.memory_space<vmem>>
      tpu.enqueue_dma source(%dma_start3A_77 : memref<8x128xf32, #tpu.memory_space<vmem>>) target(%dma_start3A_74 : memref<8x128xf32, #tpu.memory_space<vmem_shared>>) target_semaphore(%run_scoped3A : memref<!tpu.dma_semaphore, #tpu.memory_space<semaphore_mem>>)
      %dma_wait3A_78 = arith.constant 0 : i32
      %dma_wait3A_79 = arith.constant 0 : i32
      %dma_wait3A_80 = tpu.memref_slice %arg12[%dma_wait3A_78, %dma_wait3A_79] : memref<80x128xf32, #tpu.memory_space<vmem>> -> memref<8x128xf32, #tpu.memory_space<vmem>>
      %dma_wait3A_81 = arith.constant 0 : i32
      %dma_wait3A_82 = tpu.memref_slice %arg15[%add3A_28, %dma_wait3A_81] : memref<10320x128xf32, #tpu.memory_space<vmem_shared>> -> memref<8x128xf32, #tpu.memory_space<vmem_shared>>
      %dma_wait3A_83 = arith.constant 0 : i32
      %dma_wait3A_84 = tpu.memref_slice %arg15[%add3A_28, %dma_wait3A_83] : memref<10320x128xf32, #tpu.memory_space<vmem_shared>> -> memref<8x128xf32, #tpu.memory_space<vmem_shared>>
      %dma_wait3A_85 = arith.constant 0 : i32
      %dma_wait3A_86 = arith.constant 0 : i32
      %dma_wait3A_87 = tpu.memref_slice %arg12[%dma_wait3A_85, %dma_wait3A_86] : memref<80x128xf32, #tpu.memory_space<vmem>> -> memref<8x128xf32, #tpu.memory_space<vmem>>
      tpu.wait_dma2 semaphore(%run_scoped3A : memref<!tpu.dma_semaphore, #tpu.memory_space<semaphore_mem>>) src(%dma_wait3A_87 : memref<8x128xf32, #tpu.memory_space<vmem>>) dst(%dma_wait3A_84 : memref<8x128xf32, #tpu.memory_space<vmem_shared>>)
      tpu.yield
    }) : () -> ()
    %barrier3A = arith.constant 0 : index
    tpu.barrier barrier_id(%barrier3A)
    %dma_start3A = arith.constant 0 : i32
    %dma_start3A_29 = arith.constant 0 : i32
    %dma_start3A_30 = arith.constant 0 : i32
    %dma_start3A_31 = tpu.memref_slice %arg5[%dma_start3A_29, %dma_start3A_30] : memref<2x160xi32, #tpu.memory_space<vmem>> -> memref<1x160xi32, #tpu.memory_space<vmem>>
    %dma_start3A_32 = tpu.memref_squeeze %dma_start3A_31 : memref<1x160xi32, #tpu.memory_space<vmem>> -> memref<160xi32, #tpu.memory_space<vmem>>
    %dma_start3A_33 = arith.constant 0 : i32
    %dma_start3A_34 = tpu.memref_slice %arg3[%add3A, %dma_start3A, %dma_start3A_33] : memref<32x63x160xi32, #tpu.memory_space<hbm>> -> memref<1x1x160xi32, #tpu.memory_space<hbm>>
    %dma_start3A_35 = tpu.memref_squeeze %dma_start3A_34 : memref<1x1x160xi32, #tpu.memory_space<hbm>> -> memref<160xi32, #tpu.memory_space<hbm>>
    %dma_start3A_36 = arith.constant 0 : i32
    %dma_start3A_37 = tpu.memref_slice %arg5[%dma_start3A_29, %dma_start3A_36] : memref<2x160xi32, #tpu.memory_space<vmem>> -> memref<1x160xi32, #tpu.memory_space<vmem>>
    %dma_start3A_38 = tpu.memref_squeeze %dma_start3A_37 : memref<1x160xi32, #tpu.memory_space<vmem>> -> memref<160xi32, #tpu.memory_space<vmem>>
    %dma_start3A_39 = arith.constant 0 : i32
    %dma_start3A_40 = tpu.memref_slice %arg3[%add3A, %dma_start3A, %dma_start3A_39] : memref<32x63x160xi32, #tpu.memory_space<hbm>> -> memref<1x1x160xi32, #tpu.memory_space<hbm>>
    %dma_start3A_41 = tpu.memref_squeeze %dma_start3A_40 : memref<1x1x160xi32, #tpu.memory_space<hbm>> -> memref<160xi32, #tpu.memory_space<hbm>>
    tpu.enqueue_dma source(%dma_start3A_41 : memref<160xi32, #tpu.memory_space<hbm>>) target(%dma_start3A_38 : memref<160xi32, #tpu.memory_space<vmem>>) target_semaphore(%arg18 : memref<!tpu.dma_semaphore, #tpu.memory_space<semaphore_mem>>)
    %scan3A_42 = arith.constant 0 : i32
    %scan3A_43 = arith.constant 0 : i32
    %scan3A_44 = arith.constant 63 : i32
    %scan3A_45 = arith.addi %scan3A_43, %scan3A_44 : i32
    %scan3A_46 = arith.constant 1 : i32
    scf.for %scan3A_68 = %scan3A_43 to %scan3A_45 step %scan3A_46  : i32 {
      %jit3A = arith.constant 2 : i32
      %eq3A = arith.constant 0 : i32
      %eq3A_69 = arith.cmpi eq, %jit3A, %eq3A : i32
      %jit3A_70 = arith.constant 1 : i32
      %select_n3A = arith.select %eq3A_69, %jit3A_70, %jit3A : i32
      %rem3A = arith.remsi %scan3A_68, %select_n3A : i32
      %ne3A = arith.constant 0 : i32
      %ne3A_71 = arith.cmpi ne, %rem3A, %ne3A : i32
      %lt3A_72 = arith.constant 0 : i32
      %lt3A_73 = arith.cmpi slt, %rem3A, %lt3A_72 : i32
      %lt3A_74 = arith.constant 0 : i32
      %lt3A_75 = arith.cmpi slt, %select_n3A, %lt3A_74 : i32
      %ne3A_76 = arith.xori %lt3A_73, %lt3A_75 : i1
      %and3A = arith.andi %ne3A_76, %ne3A_71 : i1
      %add3A_77 = arith.addi %rem3A, %select_n3A : i32
      %select_n3A_78 = arith.select %and3A, %add3A_77, %rem3A : i32
      %dma_wait3A_79 = arith.constant 0 : i32
      %dma_wait3A_80 = arith.constant 0 : i32
      %dma_wait3A_81 = tpu.memref_slice %arg5[%select_n3A_78, %dma_wait3A_80] : memref<2x160xi32, #tpu.memory_space<vmem>> -> memref<1x160xi32, #tpu.memory_space<vmem>>
      %dma_wait3A_82 = tpu.memref_squeeze %dma_wait3A_81 : memref<1x160xi32, #tpu.memory_space<vmem>> -> memref<160xi32, #tpu.memory_space<vmem>>
      %dma_wait3A_83 = arith.constant 0 : i32
      %dma_wait3A_84 = tpu.memref_slice %arg3[%add3A, %dma_wait3A_79, %dma_wait3A_83] : memref<32x63x160xi32, #tpu.memory_space<hbm>> -> memref<1x1x160xi32, #tpu.memory_space<hbm>>
      %dma_wait3A_85 = tpu.memref_squeeze %dma_wait3A_84 : memref<1x1x160xi32, #tpu.memory_space<hbm>> -> memref<160xi32, #tpu.memory_space<hbm>>
      %dma_wait3A_86 = arith.constant 0 : i32
      %dma_wait3A_87 = tpu.memref_slice %arg5[%select_n3A_78, %dma_wait3A_86] : memref<2x160xi32, #tpu.memory_space<vmem>> -> memref<1x160xi32, #tpu.memory_space<vmem>>
      %dma_wait3A_88 = tpu.memref_squeeze %dma_wait3A_87 : memref<1x160xi32, #tpu.memory_space<vmem>> -> memref<160xi32, #tpu.memory_space<vmem>>
      %dma_wait3A_89 = arith.constant 0 : i32
      %dma_wait3A_90 = tpu.memref_slice %arg3[%add3A, %dma_wait3A_79, %dma_wait3A_89] : memref<32x63x160xi32, #tpu.memory_space<hbm>> -> memref<1x1x160xi32, #tpu.memory_space<hbm>>
      %dma_wait3A_91 = tpu.memref_squeeze %dma_wait3A_90 : memref<1x1x160xi32, #tpu.memory_space<hbm>> -> memref<160xi32, #tpu.memory_space<hbm>>
      tpu.wait_dma2 semaphore(%arg18 : memref<!tpu.dma_semaphore, #tpu.memory_space<semaphore_mem>>) src(%dma_wait3A_91 : memref<160xi32, #tpu.memory_space<hbm>>) dst(%dma_wait3A_88 : memref<160xi32, #tpu.memory_space<vmem>>)
      %lt3A_92 = arith.constant 62 : i32
      %lt3A_93 = arith.cmpi slt, %scan3A_68, %lt3A_92 : i32
      %convert_element_type3A_94 = arith.extui %lt3A_93 : i1 to i32
      %cond3A_95 = arith.constant 0 : i32
      %cond3A_96 = arith.cmpi ne, %convert_element_type3A_94, %cond3A_95 : i32
      scf.if %cond3A_96 {
        %add3A_190 = arith.constant 1 : i32
        %add3A_191 = arith.addi %scan3A_68, %add3A_190 : i32
        %sub3A = arith.constant 1 : i32
        %sub3A_192 = arith.subi %sub3A, %select_n3A_78 : i32
        %dma_start3A_193 = arith.constant 0 : i32
        %dma_start3A_194 = tpu.memref_slice %arg5[%sub3A_192, %dma_start3A_193] : memref<2x160xi32, #tpu.memory_space<vmem>> -> memref<1x160xi32, #tpu.memory_space<vmem>>
        %dma_start3A_195 = tpu.memref_squeeze %dma_start3A_194 : memref<1x160xi32, #tpu.memory_space<vmem>> -> memref<160xi32, #tpu.memory_space<vmem>>
        %dma_start3A_196 = arith.constant 0 : i32
        %dma_start3A_197 = tpu.memref_slice %arg3[%add3A, %add3A_191, %dma_start3A_196] : memref<32x63x160xi32, #tpu.memory_space<hbm>> -> memref<1x1x160xi32, #tpu.memory_space<hbm>>
        %dma_start3A_198 = tpu.memref_squeeze %dma_start3A_197 : memref<1x1x160xi32, #tpu.memory_space<hbm>> -> memref<160xi32, #tpu.memory_space<hbm>>
        %dma_start3A_199 = arith.constant 0 : i32
        %dma_start3A_200 = tpu.memref_slice %arg5[%sub3A_192, %dma_start3A_199] : memref<2x160xi32, #tpu.memory_space<vmem>> -> memref<1x160xi32, #tpu.memory_space<vmem>>
        %dma_start3A_201 = tpu.memref_squeeze %dma_start3A_200 : memref<1x160xi32, #tpu.memory_space<vmem>> -> memref<160xi32, #tpu.memory_space<vmem>>
        %dma_start3A_202 = arith.constant 0 : i32
        %dma_start3A_203 = tpu.memref_slice %arg3[%add3A, %add3A_191, %dma_start3A_202] : memref<32x63x160xi32, #tpu.memory_space<hbm>> -> memref<1x1x160xi32, #tpu.memory_space<hbm>>
        %dma_start3A_204 = tpu.memref_squeeze %dma_start3A_203 : memref<1x1x160xi32, #tpu.memory_space<hbm>> -> memref<160xi32, #tpu.memory_space<hbm>>
        tpu.enqueue_dma source(%dma_start3A_204 : memref<160xi32, #tpu.memory_space<hbm>>) target(%dma_start3A_201 : memref<160xi32, #tpu.memory_space<vmem>>) target_semaphore(%arg18 : memref<!tpu.dma_semaphore, #tpu.memory_space<semaphore_mem>>)
      } else {
      }
      %gt3A = arith.constant 0 : i32
      %gt3A_97 = arith.cmpi sgt, %scan3A_68, %gt3A : i32
      %convert_element_type3A_98 = arith.extui %gt3A_97 : i1 to i32
      %cond3A_99 = arith.constant 0 : i32
      %cond3A_100 = arith.cmpi ne, %convert_element_type3A_98, %cond3A_99 : i32
      scf.if %cond3A_100 {
        %dma_wait3A_190 = arith.constant 0 : i32
        %dma_wait3A_191 = arith.constant 0 : i32
        %dma_wait3A_192 = tpu.memref_slice %arg15[%dma_wait3A_190, %dma_wait3A_191] : memref<10320x128xf32, #tpu.memory_space<vmem_shared>> -> memref<80x128xf32, #tpu.memory_space<vmem_shared>>
        %dma_wait3A_193 = arith.constant 0 : i32
        %dma_wait3A_194 = arith.constant 0 : i32
        %dma_wait3A_195 = tpu.memref_slice %arg15[%dma_wait3A_193, %dma_wait3A_194] : memref<10320x128xf32, #tpu.memory_space<vmem_shared>> -> memref<80x128xf32, #tpu.memory_space<vmem_shared>>
        tpu.wait_dma2 semaphore(%arg19 : memref<!tpu.dma_semaphore, #tpu.memory_space<semaphore_mem>>) src(%arg11 : memref<80x128xf32, #tpu.memory_space<vmem>>) dst(%dma_wait3A_195 : memref<80x128xf32, #tpu.memory_space<vmem_shared>>)
        %dma_wait3A_196 = arith.constant 0 : i32
        %dma_wait3A_197 = arith.constant 0 : i32
        %dma_wait3A_198 = tpu.memref_slice %arg15[%dma_wait3A_196, %dma_wait3A_197] : memref<10320x128xf32, #tpu.memory_space<vmem_shared>> -> memref<80x128xf32, #tpu.memory_space<vmem_shared>>
        %dma_wait3A_199 = arith.constant 0 : i32
        %dma_wait3A_200 = arith.constant 0 : i32
        %dma_wait3A_201 = tpu.memref_slice %arg15[%dma_wait3A_199, %dma_wait3A_200] : memref<10320x128xf32, #tpu.memory_space<vmem_shared>> -> memref<80x128xf32, #tpu.memory_space<vmem_shared>>
        tpu.wait_dma2 semaphore(%arg20 : memref<!tpu.dma_semaphore, #tpu.memory_space<semaphore_mem>>) src(%arg10 : memref<80x128xf32, #tpu.memory_space<vmem>>) dst(%dma_wait3A_201 : memref<80x128xf32, #tpu.memory_space<vmem_shared>>)
      } else {
      }
      %get3A = arith.index_cast %select_n3A_78 : i32 to index
      %get3A_101 = arith.constant 0 : index
      %get3A_102 = tpu.vector_load %arg5[%get3A, %get3A_101] {strides = array<i32>} : memref<2x160xi32, #tpu.memory_space<vmem>>, vector<16xi32>,
      %and3A_103 = arith.constant 65535 : i32
      %and3A_104 = vector.broadcast %and3A_103 : i32 to vector<16xi32>
      %and3A_105 = arith.andi %get3A_102, %and3A_104 : vector<16xi32>
      %swap3A = arith.constant 0 : index
      %swap3A_106 = tpu.vector_load %arg6[%swap3A] {strides = array<i32>} : memref<80xi32, #tpu.memory_space<vmem>>, vector<16xi32>,
      tpu.vector_store %arg6[%swap3A], %and3A_105 {strides = array<i32>} : memref<80xi32, #tpu.memory_space<vmem>>, vector<16xi32>,
      %shift_right_logical3A = arith.constant 16 : i32
      %shift_right_logical3A_107 = vector.broadcast %shift_right_logical3A : i32 to vector<16xi32>
      %shift_right_logical3A_108 = arith.shrui %get3A_102, %shift_right_logical3A_107 : vector<16xi32>
      %swap3A_109 = arith.constant 0 : index
      %swap3A_110 = tpu.vector_load %arg7[%swap3A_109] {strides = array<i32>} : memref<80xi32, #tpu.memory_space<vmem>>, vector<16xi32>,
      tpu.vector_store %arg7[%swap3A_109], %shift_right_logical3A_108 {strides = array<i32>} : memref<80xi32, #tpu.memory_space<vmem>>, vector<16xi32>,
      tpu.vector_store_idx %arg14[%shift_right_logical3A_108], %broadcast_in_dim3A_5 {add = true} : memref<10240xi32, #tpu.memory_space<vmem>>[vector<16xi32>], vector<16xi32>,
      %get3A_111 = arith.index_cast %select_n3A_78 : i32 to index
      %get3A_112 = arith.constant 16 : index
      %get3A_113 = tpu.vector_load %arg5[%get3A_111, %get3A_112] {strides = array<i32>} : memref<2x160xi32, #tpu.memory_space<vmem>>, vector<16xi32>,
      %and3A_114 = arith.constant 65535 : i32
      %and3A_115 = vector.broadcast %and3A_114 : i32 to vector<16xi32>
      %and3A_116 = arith.andi %get3A_113, %and3A_115 : vector<16xi32>
      %swap3A_117 = arith.constant 16 : index
      %swap3A_118 = tpu.vector_load %arg6[%swap3A_117] {strides = array<i32>} : memref<80xi32, #tpu.memory_space<vmem>>, vector<16xi32>,
      tpu.vector_store %arg6[%swap3A_117], %and3A_116 {strides = array<i32>} : memref<80xi32, #tpu.memory_space<vmem>>, vector<16xi32>,
      %shift_right_logical3A_119 = arith.constant 16 : i32
      %shift_right_logical3A_120 = vector.broadcast %shift_right_logical3A_119 : i32 to vector<16xi32>
      %shift_right_logical3A_121 = arith.shrui %get3A_113, %shift_right_logical3A_120 : vector<16xi32>
      %swap3A_122 = arith.constant 16 : index
      %swap3A_123 = tpu.vector_load %arg7[%swap3A_122] {strides = array<i32>} : memref<80xi32, #tpu.memory_space<vmem>>, vector<16xi32>,
      tpu.vector_store %arg7[%swap3A_122], %shift_right_logical3A_121 {strides = array<i32>} : memref<80xi32, #tpu.memory_space<vmem>>, vector<16xi32>,
      tpu.vector_store_idx %arg14[%shift_right_logical3A_121], %broadcast_in_dim3A_5 {add = true} : memref<10240xi32, #tpu.memory_space<vmem>>[vector<16xi32>], vector<16xi32>,
      %get3A_124 = arith.index_cast %select_n3A_78 : i32 to index
      %get3A_125 = arith.constant 32 : index
      %get3A_126 = tpu.vector_load %arg5[%get3A_124, %get3A_125] {strides = array<i32>} : memref<2x160xi32, #tpu.memory_space<vmem>>, vector<16xi32>,
      %and3A_127 = arith.constant 65535 : i32
      %and3A_128 = vector.broadcast %and3A_127 : i32 to vector<16xi32>
      %and3A_129 = arith.andi %get3A_126, %and3A_128 : vector<16xi32>
      %swap3A_130 = arith.constant 32 : index
      %swap3A_131 = tpu.vector_load %arg6[%swap3A_130] {strides = array<i32>} : memref<80xi32, #tpu.memory_space<vmem>>, vector<16xi32>,
      tpu.vector_store %arg6[%swap3A_130], %and3A_129 {strides = array<i32>} : memref<80xi32, #tpu.memory_space<vmem>>, vector<16xi32>,
      %shift_right_logical3A_132 = arith.constant 16 : i32
      %shift_right_logical3A_133 = vector.broadcast %shift_right_logical3A_132 : i32 to vector<16xi32>
      %shift_right_logical3A_134 = arith.shrui %get3A_126, %shift_right_logical3A_133 : vector<16xi32>
      %swap3A_135 = arith.constant 32 : index
      %swap3A_136 = tpu.vector_load %arg7[%swap3A_135] {strides = array<i32>} : memref<80xi32, #tpu.memory_space<vmem>>, vector<16xi32>,
      tpu.vector_store %arg7[%swap3A_135], %shift_right_logical3A_134 {strides = array<i32>} : memref<80xi32, #tpu.memory_space<vmem>>, vector<16xi32>,
      tpu.vector_store_idx %arg14[%shift_right_logical3A_134], %broadcast_in_dim3A_5 {add = true} : memref<10240xi32, #tpu.memory_space<vmem>>[vector<16xi32>], vector<16xi32>,
      %get3A_137 = arith.index_cast %select_n3A_78 : i32 to index
      %get3A_138 = arith.constant 48 : index
      %get3A_139 = tpu.vector_load %arg5[%get3A_137, %get3A_138] {strides = array<i32>} : memref<2x160xi32, #tpu.memory_space<vmem>>, vector<16xi32>,
      %and3A_140 = arith.constant 65535 : i32
      %and3A_141 = vector.broadcast %and3A_140 : i32 to vector<16xi32>
      %and3A_142 = arith.andi %get3A_139, %and3A_141 : vector<16xi32>
      %swap3A_143 = arith.constant 48 : index
      %swap3A_144 = tpu.vector_load %arg6[%swap3A_143] {strides = array<i32>} : memref<80xi32, #tpu.memory_space<vmem>>, vector<16xi32>,
      tpu.vector_store %arg6[%swap3A_143], %and3A_142 {strides = array<i32>} : memref<80xi32, #tpu.memory_space<vmem>>, vector<16xi32>,
      %shift_right_logical3A_145 = arith.constant 16 : i32
      %shift_right_logical3A_146 = vector.broadcast %shift_right_logical3A_145 : i32 to vector<16xi32>
      %shift_right_logical3A_147 = arith.shrui %get3A_139, %shift_right_logical3A_146 : vector<16xi32>
      %swap3A_148 = arith.constant 48 : index
      %swap3A_149 = tpu.vector_load %arg7[%swap3A_148] {strides = array<i32>} : memref<80xi32, #tpu.memory_space<vmem>>, vector<16xi32>,
      tpu.vector_store %arg7[%swap3A_148], %shift_right_logical3A_147 {strides = array<i32>} : memref<80xi32, #tpu.memory_space<vmem>>, vector<16xi32>,
      tpu.vector_store_idx %arg14[%shift_right_logical3A_147], %broadcast_in_dim3A_5 {add = true} : memref<10240xi32, #tpu.memory_space<vmem>>[vector<16xi32>], vector<16xi32>,
      %get3A_150 = arith.index_cast %select_n3A_78 : i32 to index
      %get3A_151 = arith.constant 64 : index
      %get3A_152 = tpu.vector_load %arg5[%get3A_150, %get3A_151] {strides = array<i32>} : memref<2x160xi32, #tpu.memory_space<vmem>>, vector<16xi32>,
      %and3A_153 = arith.constant 65535 : i32
      %and3A_154 = vector.broadcast %and3A_153 : i32 to vector<16xi32>
      %and3A_155 = arith.andi %get3A_152, %and3A_154 : vector<16xi32>
      %swap3A_156 = arith.constant 64 : index
      %swap3A_157 = tpu.vector_load %arg6[%swap3A_156] {strides = array<i32>} : memref<80xi32, #tpu.memory_space<vmem>>, vector<16xi32>,
      tpu.vector_store %arg6[%swap3A_156], %and3A_155 {strides = array<i32>} : memref<80xi32, #tpu.memory_space<vmem>>, vector<16xi32>,
      %shift_right_logical3A_158 = arith.constant 16 : i32
      %shift_right_logical3A_159 = vector.broadcast %shift_right_logical3A_158 : i32 to vector<16xi32>
      %shift_right_logical3A_160 = arith.shrui %get3A_152, %shift_right_logical3A_159 : vector<16xi32>
      %swap3A_161 = arith.constant 64 : index
      %swap3A_162 = tpu.vector_load %arg7[%swap3A_161] {strides = array<i32>} : memref<80xi32, #tpu.memory_space<vmem>>, vector<16xi32>,
      tpu.vector_store %arg7[%swap3A_161], %shift_right_logical3A_160 {strides = array<i32>} : memref<80xi32, #tpu.memory_space<vmem>>, vector<16xi32>,
      tpu.vector_store_idx %arg14[%shift_right_logical3A_160], %broadcast_in_dim3A_5 {add = true} : memref<10240xi32, #tpu.memory_space<vmem>>[vector<16xi32>], vector<16xi32>,
      %dma_start3A_163 = arith.constant 0 : i32
      %dma_start3A_164 = arith.constant 0 : i32
      %dma_start3A_165 = tpu.memref_slice %arg2[%dma_start3A_163, %dma_start3A_164] : memref<10000x128xf32, #tpu.memory_space<hbm>> -> memref<10000x128xf32, #tpu.memory_space<hbm>>
      tpu.enqueue_indirect_dma source(%dma_start3A_165 : memref<10000x128xf32, #tpu.memory_space<hbm>>) target(%arg10 : memref<80x128xf32, #tpu.memory_space<vmem>>) offsets(%arg6 : memref<80xi32, #tpu.memory_space<vmem>>) semaphore(%arg16 : memref<!tpu.dma_semaphore, #tpu.memory_space<semaphore_mem>>)
      %lt3A_166 = arith.constant 62 : i32
      %lt3A_167 = arith.cmpi slt, %scan3A_68, %lt3A_166 : i32
      %convert_element_type3A_168 = arith.extui %lt3A_167 : i1 to i32
      %cond3A_169 = arith.constant 0 : i32
      %cond3A_170 = arith.cmpi ne, %convert_element_type3A_168, %cond3A_169 : i32
      scf.if %cond3A_170 {
        %get3A_190 = arith.index_cast %select_n3A_78 : i32 to index
        %get3A_191 = arith.constant 80 : index
        %get3A_192 = tpu.vector_load %arg5[%get3A_190, %get3A_191] {strides = array<i32>} : memref<2x160xi32, #tpu.memory_space<vmem>>, vector<16xi32>,
        %and3A_193 = arith.constant 65535 : i32
        %and3A_194 = vector.broadcast %and3A_193 : i32 to vector<16xi32>
        %and3A_195 = arith.andi %get3A_192, %and3A_194 : vector<16xi32>
        %swap3A_196 = arith.constant 0 : index
        %swap3A_197 = tpu.vector_load %arg8[%swap3A_196] {strides = array<i32>} : memref<80xi32, #tpu.memory_space<vmem>>, vector<16xi32>,
        tpu.vector_store %arg8[%swap3A_196], %and3A_195 {strides = array<i32>} : memref<80xi32, #tpu.memory_space<vmem>>, vector<16xi32>,
        %shift_right_logical3A_198 = arith.constant 16 : i32
        %shift_right_logical3A_199 = vector.broadcast %shift_right_logical3A_198 : i32 to vector<16xi32>
        %shift_right_logical3A_200 = arith.shrui %get3A_192, %shift_right_logical3A_199 : vector<16xi32>
        %swap3A_201 = arith.constant 0 : index
        %swap3A_202 = tpu.vector_load %arg9[%swap3A_201] {strides = array<i32>} : memref<80xi32, #tpu.memory_space<vmem>>, vector<16xi32>,
        tpu.vector_store %arg9[%swap3A_201], %shift_right_logical3A_200 {strides = array<i32>} : memref<80xi32, #tpu.memory_space<vmem>>, vector<16xi32>,
        tpu.vector_store_idx %arg14[%shift_right_logical3A_200], %broadcast_in_dim3A_5 {add = true} : memref<10240xi32, #tpu.memory_space<vmem>>[vector<16xi32>], vector<16xi32>,
        %get3A_203 = arith.index_cast %select_n3A_78 : i32 to index
        %get3A_204 = arith.constant 96 : index
        %get3A_205 = tpu.vector_load %arg5[%get3A_203, %get3A_204] {strides = array<i32>} : memref<2x160xi32, #tpu.memory_space<vmem>>, vector<16xi32>,
        %and3A_206 = arith.constant 65535 : i32
        %and3A_207 = vector.broadcast %and3A_206 : i32 to vector<16xi32>
        %and3A_208 = arith.andi %get3A_205, %and3A_207 : vector<16xi32>
        %swap3A_209 = arith.constant 16 : index
        %swap3A_210 = tpu.vector_load %arg8[%swap3A_209] {strides = array<i32>} : memref<80xi32, #tpu.memory_space<vmem>>, vector<16xi32>,
        tpu.vector_store %arg8[%swap3A_209], %and3A_208 {strides = array<i32>} : memref<80xi32, #tpu.memory_space<vmem>>, vector<16xi32>,
        %shift_right_logical3A_211 = arith.constant 16 : i32
        %shift_right_logical3A_212 = vector.broadcast %shift_right_logical3A_211 : i32 to vector<16xi32>
        %shift_right_logical3A_213 = arith.shrui %get3A_205, %shift_right_logical3A_212 : vector<16xi32>
        %swap3A_214 = arith.constant 16 : index
        %swap3A_215 = tpu.vector_load %arg9[%swap3A_214] {strides = array<i32>} : memref<80xi32, #tpu.memory_space<vmem>>, vector<16xi32>,
        tpu.vector_store %arg9[%swap3A_214], %shift_right_logical3A_213 {strides = array<i32>} : memref<80xi32, #tpu.memory_space<vmem>>, vector<16xi32>,
        tpu.vector_store_idx %arg14[%shift_right_logical3A_213], %broadcast_in_dim3A_5 {add = true} : memref<10240xi32, #tpu.memory_space<vmem>>[vector<16xi32>], vector<16xi32>,
        %get3A_216 = arith.index_cast %select_n3A_78 : i32 to index
        %get3A_217 = arith.constant 112 : index
        %get3A_218 = tpu.vector_load %arg5[%get3A_216, %get3A_217] {strides = array<i32>} : memref<2x160xi32, #tpu.memory_space<vmem>>, vector<16xi32>,
        %and3A_219 = arith.constant 65535 : i32
        %and3A_220 = vector.broadcast %and3A_219 : i32 to vector<16xi32>
        %and3A_221 = arith.andi %get3A_218, %and3A_220 : vector<16xi32>
        %swap3A_222 = arith.constant 32 : index
        %swap3A_223 = tpu.vector_load %arg8[%swap3A_222] {strides = array<i32>} : memref<80xi32, #tpu.memory_space<vmem>>, vector<16xi32>,
        tpu.vector_store %arg8[%swap3A_222], %and3A_221 {strides = array<i32>} : memref<80xi32, #tpu.memory_space<vmem>>, vector<16xi32>,
        %shift_right_logical3A_224 = arith.constant 16 : i32
        %shift_right_logical3A_225 = vector.broadcast %shift_right_logical3A_224 : i32 to vector<16xi32>
        %shift_right_logical3A_226 = arith.shrui %get3A_218, %shift_right_logical3A_225 : vector<16xi32>
        %swap3A_227 = arith.constant 32 : index
        %swap3A_228 = tpu.vector_load %arg9[%swap3A_227] {strides = array<i32>} : memref<80xi32, #tpu.memory_space<vmem>>, vector<16xi32>,
        tpu.vector_store %arg9[%swap3A_227], %shift_right_logical3A_226 {strides = array<i32>} : memref<80xi32, #tpu.memory_space<vmem>>, vector<16xi32>,
        tpu.vector_store_idx %arg14[%shift_right_logical3A_226], %broadcast_in_dim3A_5 {add = true} : memref<10240xi32, #tpu.memory_space<vmem>>[vector<16xi32>], vector<16xi32>,
        %get3A_229 = arith.index_cast %select_n3A_78 : i32 to index
        %get3A_230 = arith.constant 128 : index
        %get3A_231 = tpu.vector_load %arg5[%get3A_229, %get3A_230] {strides = array<i32>} : memref<2x160xi32, #tpu.memory_space<vmem>>, vector<16xi32>,
        %and3A_232 = arith.constant 65535 : i32
        %and3A_233 = vector.broadcast %and3A_232 : i32 to vector<16xi32>
        %and3A_234 = arith.andi %get3A_231, %and3A_233 : vector<16xi32>
        %swap3A_235 = arith.constant 48 : index
        %swap3A_236 = tpu.vector_load %arg8[%swap3A_235] {strides = array<i32>} : memref<80xi32, #tpu.memory_space<vmem>>, vector<16xi32>,
        tpu.vector_store %arg8[%swap3A_235], %and3A_234 {strides = array<i32>} : memref<80xi32, #tpu.memory_space<vmem>>, vector<16xi32>,
        %shift_right_logical3A_237 = arith.constant 16 : i32
        %shift_right_logical3A_238 = vector.broadcast %shift_right_logical3A_237 : i32 to vector<16xi32>
        %shift_right_logical3A_239 = arith.shrui %get3A_231, %shift_right_logical3A_238 : vector<16xi32>
        %swap3A_240 = arith.constant 48 : index
        %swap3A_241 = tpu.vector_load %arg9[%swap3A_240] {strides = array<i32>} : memref<80xi32, #tpu.memory_space<vmem>>, vector<16xi32>,
        tpu.vector_store %arg9[%swap3A_240], %shift_right_logical3A_239 {strides = array<i32>} : memref<80xi32, #tpu.memory_space<vmem>>, vector<16xi32>,
        tpu.vector_store_idx %arg14[%shift_right_logical3A_239], %broadcast_in_dim3A_5 {add = true} : memref<10240xi32, #tpu.memory_space<vmem>>[vector<16xi32>], vector<16xi32>,
        %get3A_242 = arith.index_cast %select_n3A_78 : i32 to index
        %get3A_243 = arith.constant 144 : index
        %get3A_244 = tpu.vector_load %arg5[%get3A_242, %get3A_243] {strides = array<i32>} : memref<2x160xi32, #tpu.memory_space<vmem>>, vector<16xi32>,
        %and3A_245 = arith.constant 65535 : i32
        %and3A_246 = vector.broadcast %and3A_245 : i32 to vector<16xi32>
        %and3A_247 = arith.andi %get3A_244, %and3A_246 : vector<16xi32>
        %swap3A_248 = arith.constant 64 : index
        %swap3A_249 = tpu.vector_load %arg8[%swap3A_248] {strides = array<i32>} : memref<80xi32, #tpu.memory_space<vmem>>, vector<16xi32>,
        tpu.vector_store %arg8[%swap3A_248], %and3A_247 {strides = array<i32>} : memref<80xi32, #tpu.memory_space<vmem>>, vector<16xi32>,
        %shift_right_logical3A_250 = arith.constant 16 : i32
        %shift_right_logical3A_251 = vector.broadcast %shift_right_logical3A_250 : i32 to vector<16xi32>
        %shift_right_logical3A_252 = arith.shrui %get3A_244, %shift_right_logical3A_251 : vector<16xi32>
        %swap3A_253 = arith.constant 64 : index
        %swap3A_254 = tpu.vector_load %arg9[%swap3A_253] {strides = array<i32>} : memref<80xi32, #tpu.memory_space<vmem>>, vector<16xi32>,
        tpu.vector_store %arg9[%swap3A_253], %shift_right_logical3A_252 {strides = array<i32>} : memref<80xi32, #tpu.memory_space<vmem>>, vector<16xi32>,
        tpu.vector_store_idx %arg14[%shift_right_logical3A_252], %broadcast_in_dim3A_5 {add = true} : memref<10240xi32, #tpu.memory_space<vmem>>[vector<16xi32>], vector<16xi32>,
        %dma_start3A_255 = arith.constant 0 : i32
        %dma_start3A_256 = arith.constant 0 : i32
        %dma_start3A_257 = tpu.memref_slice %arg2[%dma_start3A_255, %dma_start3A_256] : memref<10000x128xf32, #tpu.memory_space<hbm>> -> memref<10000x128xf32, #tpu.memory_space<hbm>>
        tpu.enqueue_indirect_dma source(%dma_start3A_257 : memref<10000x128xf32, #tpu.memory_space<hbm>>) target(%arg11 : memref<80x128xf32, #tpu.memory_space<vmem>>) offsets(%arg8 : memref<80xi32, #tpu.memory_space<vmem>>) semaphore(%arg17 : memref<!tpu.dma_semaphore, #tpu.memory_space<semaphore_mem>>)
      } else {
      }
      %eq3A_171 = arith.constant 62 : i32
      %eq3A_172 = arith.cmpi eq, %scan3A_68, %eq3A_171 : i32
      %convert_element_type3A_173 = arith.extui %eq3A_172 : i1 to i32
      %cond3A_174 = arith.constant 0 : i32
      %cond3A_175 = arith.cmpi ne, %convert_element_type3A_173, %cond3A_174 : i32
      scf.if %cond3A_175 {
        %add3A_190 = arith.constant 10240 : i32
        %add3A_191 = vector.broadcast %add3A_190 : i32 to vector<16xi32>
        %add3A_192 = arith.addi %add3A_191, %iota3A : vector<16xi32>
        %swap3A_193 = arith.constant 0 : index
        %swap3A_194 = tpu.vector_load %arg9[%swap3A_193] {strides = array<i32>} : memref<80xi32, #tpu.memory_space<vmem>>, vector<16xi32>,
        tpu.vector_store %arg9[%swap3A_193], %add3A_192 {strides = array<i32>} : memref<80xi32, #tpu.memory_space<vmem>>, vector<16xi32>,
        %add3A_195 = arith.constant 10256 : i32
        %add3A_196 = vector.broadcast %add3A_195 : i32 to vector<16xi32>
        %add3A_197 = arith.addi %add3A_196, %iota3A : vector<16xi32>
        %swap3A_198 = arith.constant 16 : index
        %swap3A_199 = tpu.vector_load %arg9[%swap3A_198] {strides = array<i32>} : memref<80xi32, #tpu.memory_space<vmem>>, vector<16xi32>,
        tpu.vector_store %arg9[%swap3A_198], %add3A_197 {strides = array<i32>} : memref<80xi32, #tpu.memory_space<vmem>>, vector<16xi32>,
        %add3A_200 = arith.constant 10272 : i32
        %add3A_201 = vector.broadcast %add3A_200 : i32 to vector<16xi32>
        %add3A_202 = arith.addi %add3A_201, %iota3A : vector<16xi32>
        %swap3A_203 = arith.constant 32 : index
        %swap3A_204 = tpu.vector_load %arg9[%swap3A_203] {strides = array<i32>} : memref<80xi32, #tpu.memory_space<vmem>>, vector<16xi32>,
        tpu.vector_store %arg9[%swap3A_203], %add3A_202 {strides = array<i32>} : memref<80xi32, #tpu.memory_space<vmem>>, vector<16xi32>,
        %add3A_205 = arith.constant 10288 : i32
        %add3A_206 = vector.broadcast %add3A_205 : i32 to vector<16xi32>
        %add3A_207 = arith.addi %add3A_206, %iota3A : vector<16xi32>
        %swap3A_208 = arith.constant 48 : index
        %swap3A_209 = tpu.vector_load %arg9[%swap3A_208] {strides = array<i32>} : memref<80xi32, #tpu.memory_space<vmem>>, vector<16xi32>,
        tpu.vector_store %arg9[%swap3A_208], %add3A_207 {strides = array<i32>} : memref<80xi32, #tpu.memory_space<vmem>>, vector<16xi32>,
        %add3A_210 = arith.constant 10304 : i32
        %add3A_211 = vector.broadcast %add3A_210 : i32 to vector<16xi32>
        %add3A_212 = arith.addi %add3A_211, %iota3A : vector<16xi32>
        %swap3A_213 = arith.constant 64 : index
        %swap3A_214 = tpu.vector_load %arg9[%swap3A_213] {strides = array<i32>} : memref<80xi32, #tpu.memory_space<vmem>>, vector<16xi32>,
        tpu.vector_store %arg9[%swap3A_213], %add3A_212 {strides = array<i32>} : memref<80xi32, #tpu.memory_space<vmem>>, vector<16xi32>,
        %scan3A_215 = arith.constant 0 : i32
        %scan3A_216 = arith.constant 0 : i32
        %scan3A_217 = arith.constant 640 : i32
        %scan3A_218 = arith.addi %scan3A_216, %scan3A_217 : i32
        %scan3A_219 = arith.constant 1 : i32
        scf.for %scan3A_221 = %scan3A_216 to %scan3A_218 step %scan3A_219  : i32 {
          %mul3A_222 = arith.constant 16 : i32
          %mul3A_223 = arith.muli %scan3A_221, %mul3A_222 : i32
          %get3A_224 = arith.index_cast %mul3A_223 : i32 to index
          %get3A_225 = tpu.vector_load %arg14[%get3A_224] {strides = array<i32>} : memref<10240xi32, #tpu.memory_space<vmem>>, vector<16xi32>,
          %convert_element_type3A_226 = arith.sitofp %get3A_225 : vector<16xi32> to vector<16xf32>
          %jit3A_227 = arith.constant 8 : i32
          %div3A = arith.divsi %scan3A_221, %jit3A_227 : i32
          %sign3A = arith.constant 0 : i32
          %sign3A_228 = arith.cmpi sgt, %scan3A_221, %sign3A : i32
          %sign3A_229 = arith.extui %sign3A_228 : i1 to i32
          %sign3A_230 = arith.constant 0 : i32
          %sign3A_231 = arith.cmpi slt, %scan3A_221, %sign3A_230 : i32
          %sign3A_232 = arith.extui %sign3A_231 : i1 to i32
          %sign3A_233 = arith.subi %sign3A_229, %sign3A_232 : i32
          %sign3A_234 = arith.constant 0 : i32
          %sign3A_235 = arith.cmpi sgt, %jit3A_227, %sign3A_234 : i32
          %sign3A_236 = arith.extui %sign3A_235 : i1 to i32
          %sign3A_237 = arith.constant 0 : i32
          %sign3A_238 = arith.cmpi slt, %jit3A_227, %sign3A_237 : i32
          %sign3A_239 = arith.extui %sign3A_238 : i1 to i32
          %sign3A_240 = arith.subi %sign3A_236, %sign3A_239 : i32
          %ne3A_241 = arith.cmpi ne, %sign3A_233, %sign3A_240 : i32
          %rem3A_242 = arith.remsi %scan3A_221, %jit3A_227 : i32
          %ne3A_243 = arith.constant 0 : i32
          %ne3A_244 = arith.cmpi ne, %rem3A_242, %ne3A_243 : i32
          %and3A_245 = arith.andi %ne3A_241, %ne3A_244 : i1
          %sub3A = arith.constant 1 : i32
          %sub3A_246 = arith.subi %div3A, %sub3A : i32
          %select_n3A_247 = arith.select %and3A_245, %sub3A_246, %div3A : i32
          %jit3A_248 = arith.constant 8 : i32
          %eq3A_249 = arith.constant 0 : i32
          %eq3A_250 = arith.cmpi eq, %jit3A_248, %eq3A_249 : i32
          %jit3A_251 = arith.constant 1 : i32
          %select_n3A_252 = arith.select %eq3A_250, %jit3A_251, %jit3A_248 : i32
          %rem3A_253 = arith.remsi %scan3A_221, %select_n3A_252 : i32
          %ne3A_254 = arith.constant 0 : i32
          %ne3A_255 = arith.cmpi ne, %rem3A_253, %ne3A_254 : i32
          %lt3A_256 = arith.constant 0 : i32
          %lt3A_257 = arith.cmpi slt, %rem3A_253, %lt3A_256 : i32
          %lt3A_258 = arith.constant 0 : i32
          %lt3A_259 = arith.cmpi slt, %select_n3A_252, %lt3A_258 : i32
          %ne3A_260 = arith.xori %lt3A_257, %lt3A_259 : i1
          %and3A_261 = arith.andi %ne3A_260, %ne3A_255 : i1
          %add3A_262 = arith.addi %rem3A_253, %select_n3A_252 : i32
          %select_n3A_263 = arith.select %and3A_261, %add3A_262, %rem3A_253 : i32
          %mul3A_264 = arith.constant 16 : i32
          %mul3A_265 = arith.muli %select_n3A_263, %mul3A_264 : i32
          %swap3A_266 = arith.index_cast %select_n3A_247 : i32 to index
          %swap3A_267 = arith.index_cast %mul3A_265 : i32 to index
          %swap3A_268 = tpu.vector_load %arg11[%swap3A_266, %swap3A_267] {strides = array<i32>} : memref<80x128xf32, #tpu.memory_space<vmem>>, vector<16xf32>,
          tpu.vector_store %arg11[%swap3A_266, %swap3A_267], %convert_element_type3A_226 {strides = array<i32>} : memref<80x128xf32, #tpu.memory_space<vmem>>, vector<16xf32>,
        }
        %scan3A_220 = arith.constant 640 : i32
      } else {
      }
      %dma_wait3A_176 = arith.constant 0 : i32
      %dma_wait3A_177 = arith.constant 0 : i32
      %dma_wait3A_178 = tpu.memref_slice %arg2[%dma_wait3A_176, %dma_wait3A_177] : memref<10000x128xf32, #tpu.memory_space<hbm>> -> memref<10000x128xf32, #tpu.memory_space<hbm>>
      tpu.wait_indirect_dma semaphore(%arg16 : memref<!tpu.dma_semaphore, #tpu.memory_space<semaphore_mem>>) src(%dma_wait3A_178 : memref<10000x128xf32, #tpu.memory_space<hbm>>) dst(%arg10 : memref<80x128xf32, #tpu.memory_space<vmem>>)
      %dma_start3A_179 = arith.constant 0 : i32
      %dma_start3A_180 = arith.constant 0 : i32
      %dma_start3A_181 = tpu.memref_slice %arg15[%dma_start3A_179, %dma_start3A_180] : memref<10320x128xf32, #tpu.memory_space<vmem_shared>> -> memref<10320x128xf32, #tpu.memory_space<vmem_shared>>
      tpu.enqueue_indirect_dma source(%arg10 : memref<80x128xf32, #tpu.memory_space<vmem>>) target(%dma_start3A_181 : memref<10320x128xf32, #tpu.memory_space<vmem_shared>>) offsets(%arg7 : memref<80xi32, #tpu.memory_space<vmem>>) semaphore(%arg20 : memref<!tpu.dma_semaphore, #tpu.memory_space<semaphore_mem>>) {add = true}
      %lt3A_182 = arith.constant 62 : i32
      %lt3A_183 = arith.cmpi slt, %scan3A_68, %lt3A_182 : i32
      %convert_element_type3A_184 = arith.extui %lt3A_183 : i1 to i32
      %cond3A_185 = arith.constant 0 : i32
      %cond3A_186 = arith.cmpi ne, %convert_element_type3A_184, %cond3A_185 : i32
      scf.if %cond3A_186 {
        %dma_wait3A_190 = arith.constant 0 : i32
        %dma_wait3A_191 = arith.constant 0 : i32
        %dma_wait3A_192 = tpu.memref_slice %arg2[%dma_wait3A_190, %dma_wait3A_191] : memref<10000x128xf32, #tpu.memory_space<hbm>> -> memref<80x128xf32, #tpu.memory_space<hbm>>
        %dma_wait3A_193 = arith.constant 0 : i32
        %dma_wait3A_194 = arith.constant 0 : i32
        %dma_wait3A_195 = tpu.memref_slice %arg2[%dma_wait3A_193, %dma_wait3A_194] : memref<10000x128xf32, #tpu.memory_space<hbm>> -> memref<80x128xf32, #tpu.memory_space<hbm>>
        tpu.wait_dma2 semaphore(%arg17 : memref<!tpu.dma_semaphore, #tpu.memory_space<semaphore_mem>>) src(%dma_wait3A_195 : memref<80x128xf32, #tpu.memory_space<hbm>>) dst(%arg11 : memref<80x128xf32, #tpu.memory_space<vmem>>)
      } else {
      }
      %dma_start3A_187 = arith.constant 0 : i32
      %dma_start3A_188 = arith.constant 0 : i32
      %dma_start3A_189 = tpu.memref_slice %arg15[%dma_start3A_187, %dma_start3A_188] : memref<10320x128xf32, #tpu.memory_space<vmem_shared>> -> memref<10320x128xf32, #tpu.memory_space<vmem_shared>>
      tpu.enqueue_indirect_dma source(%arg11 : memref<80x128xf32, #tpu.memory_space<vmem>>) target(%dma_start3A_189 : memref<10320x128xf32, #tpu.memory_space<vmem_shared>>) offsets(%arg9 : memref<80xi32, #tpu.memory_space<vmem>>) semaphore(%arg19 : memref<!tpu.dma_semaphore, #tpu.memory_space<semaphore_mem>>) {add = true}
    }
    %scan3A_47 = arith.constant 63 : i32
    %dma_wait3A = arith.constant 0 : i32
    %dma_wait3A_48 = arith.constant 0 : i32
    %dma_wait3A_49 = tpu.memref_slice %arg15[%dma_wait3A, %dma_wait3A_48] : memref<10320x128xf32, #tpu.memory_space<vmem_shared>> -> memref<80x128xf32, #tpu.memory_space<vmem_shared>>
    %dma_wait3A_50 = arith.constant 0 : i32
    %dma_wait3A_51 = arith.constant 0 : i32
    %dma_wait3A_52 = tpu.memref_slice %arg15[%dma_wait3A_50, %dma_wait3A_51] : memref<10320x128xf32, #tpu.memory_space<vmem_shared>> -> memref<80x128xf32, #tpu.memory_space<vmem_shared>>
    tpu.wait_dma2 semaphore(%arg19 : memref<!tpu.dma_semaphore, #tpu.memory_space<semaphore_mem>>) src(%arg11 : memref<80x128xf32, #tpu.memory_space<vmem>>) dst(%dma_wait3A_52 : memref<80x128xf32, #tpu.memory_space<vmem_shared>>)
    %dma_wait3A_53 = arith.constant 0 : i32
    %dma_wait3A_54 = arith.constant 0 : i32
    %dma_wait3A_55 = tpu.memref_slice %arg15[%dma_wait3A_53, %dma_wait3A_54] : memref<10320x128xf32, #tpu.memory_space<vmem_shared>> -> memref<80x128xf32, #tpu.memory_space<vmem_shared>>
    %dma_wait3A_56 = arith.constant 0 : i32
    %dma_wait3A_57 = arith.constant 0 : i32
    %dma_wait3A_58 = tpu.memref_slice %arg15[%dma_wait3A_56, %dma_wait3A_57] : memref<10320x128xf32, #tpu.memory_space<vmem_shared>> -> memref<80x128xf32, #tpu.memory_space<vmem_shared>>
    tpu.wait_dma2 semaphore(%arg20 : memref<!tpu.dma_semaphore, #tpu.memory_space<semaphore_mem>>) src(%arg10 : memref<80x128xf32, #tpu.memory_space<vmem>>) dst(%dma_wait3A_58 : memref<80x128xf32, #tpu.memory_space<vmem_shared>>)
    %barrier3A_59 = arith.constant 0 : index
    tpu.barrier barrier_id(%barrier3A_59)
    %scan3A_60 = arith.constant 0 : i32
    %scan3A_61 = arith.constant 0 : i32
    %scan3A_62 = arith.constant 8 : i32
    %scan3A_63 = arith.addi %scan3A_61, %scan3A_62 : i32
    %scan3A_64 = arith.constant 1 : i32
    scf.for %scan3A_68 = %scan3A_61 to %scan3A_63 step %scan3A_64  : i32 {
      %mul3A_69 = arith.constant 80 : i32
      %mul3A_70 = arith.muli %scan3A_68, %mul3A_69 : i32
      %add3A_71 = arith.addi %mul3A_18, %mul3A_70 : i32
      "tpu.region"() ({
        %run_scoped3A = tpu.sem_alloc : memref<!tpu.dma_semaphore, #tpu.memory_space<semaphore_mem>>
        %dma_start3A_72 = arith.constant 0 : i32
        %dma_start3A_73 = tpu.memref_slice %arg15[%add3A_71, %dma_start3A_72] : memref<10320x128xf32, #tpu.memory_space<vmem_shared>> -> memref<80x128xf32, #tpu.memory_space<vmem_shared>>
        %dma_start3A_74 = arith.constant 0 : i32
        %dma_start3A_75 = tpu.memref_slice %arg15[%add3A_71, %dma_start3A_74] : memref<10320x128xf32, #tpu.memory_space<vmem_shared>> -> memref<80x128xf32, #tpu.memory_space<vmem_shared>>
        tpu.enqueue_dma source(%dma_start3A_75 : memref<80x128xf32, #tpu.memory_space<vmem_shared>>) target(%arg12 : memref<80x128xf32, #tpu.memory_space<vmem>>) target_semaphore(%run_scoped3A : memref<!tpu.dma_semaphore, #tpu.memory_space<semaphore_mem>>)
        %dma_wait3A_76 = arith.constant 0 : i32
        %dma_wait3A_77 = tpu.memref_slice %arg15[%add3A_71, %dma_wait3A_76] : memref<10320x128xf32, #tpu.memory_space<vmem_shared>> -> memref<80x128xf32, #tpu.memory_space<vmem_shared>>
        %dma_wait3A_78 = arith.constant 0 : i32
        %dma_wait3A_79 = tpu.memref_slice %arg15[%add3A_71, %dma_wait3A_78] : memref<10320x128xf32, #tpu.memory_space<vmem_shared>> -> memref<80x128xf32, #tpu.memory_space<vmem_shared>>
        tpu.wait_dma2 semaphore(%run_scoped3A : memref<!tpu.dma_semaphore, #tpu.memory_space<semaphore_mem>>) src(%dma_wait3A_79 : memref<80x128xf32, #tpu.memory_space<vmem_shared>>) dst(%arg12 : memref<80x128xf32, #tpu.memory_space<vmem>>)
        tpu.yield
      }) : () -> ()
      "tpu.region"() ({
        %run_scoped3A = tpu.sem_alloc : memref<!tpu.dma_semaphore, #tpu.memory_space<semaphore_mem>>
        %dma_start3A_72 = arith.constant 0 : i32
        %dma_start3A_73 = tpu.memref_slice %arg4[%arg0, %add3A_71, %dma_start3A_72] : memref<2x10320x128xf32, #tpu.memory_space<hbm>> -> memref<1x80x128xf32, #tpu.memory_space<hbm>>
        %dma_start3A_74 = tpu.memref_squeeze %dma_start3A_73 : memref<1x80x128xf32, #tpu.memory_space<hbm>> -> memref<80x128xf32, #tpu.memory_space<hbm>>
        %dma_start3A_75 = arith.constant 0 : i32
        %dma_start3A_76 = tpu.memref_slice %arg4[%arg0, %add3A_71, %dma_start3A_75] : memref<2x10320x128xf32, #tpu.memory_space<hbm>> -> memref<1x80x128xf32, #tpu.memory_space<hbm>>
        %dma_start3A_77 = tpu.memref_squeeze %dma_start3A_76 : memref<1x80x128xf32, #tpu.memory_space<hbm>> -> memref<80x128xf32, #tpu.memory_space<hbm>>
        tpu.enqueue_dma source(%arg12 : memref<80x128xf32, #tpu.memory_space<vmem>>) target(%dma_start3A_77 : memref<80x128xf32, #tpu.memory_space<hbm>>) target_semaphore(%run_scoped3A : memref<!tpu.dma_semaphore, #tpu.memory_space<semaphore_mem>>)
        %dma_wait3A_78 = arith.constant 0 : i32
        %dma_wait3A_79 = tpu.memref_slice %arg4[%arg0, %add3A_71, %dma_wait3A_78] : memref<2x10320x128xf32, #tpu.memory_space<hbm>> -> memref<1x80x128xf32, #tpu.memory_space<hbm>>
        %dma_wait3A_80 = tpu.memref_squeeze %dma_wait3A_79 : memref<1x80x128xf32, #tpu.memory_space<hbm>> -> memref<80x128xf32, #tpu.memory_space<hbm>>
        %dma_wait3A_81 = arith.constant 0 : i32
        %dma_wait3A_82 = tpu.memref_slice %arg4[%arg0, %add3A_71, %dma_wait3A_81] : memref<2x10320x128xf32, #tpu.memory_space<hbm>> -> memref<1x80x128xf32, #tpu.memory_space<hbm>>
        %dma_wait3A_83 = tpu.memref_squeeze %dma_wait3A_82 : memref<1x80x128xf32, #tpu.memory_space<hbm>> -> memref<80x128xf32, #tpu.memory_space<hbm>>
        tpu.wait_dma2 semaphore(%run_scoped3A : memref<!tpu.dma_semaphore, #tpu.memory_space<semaphore_mem>>) src(%arg12 : memref<80x128xf32, #tpu.memory_space<vmem>>) dst(%dma_wait3A_83 : memref<80x128xf32, #tpu.memory_space<hbm>>)
        tpu.yield
      }) : () -> ()
    }
    %scan3A_65 = arith.constant 8 : i32
    %lt3A = arith.constant 10 : i32
    %lt3A_66 = arith.cmpi slt, %arg1, %lt3A : i32
    %convert_element_type3A = arith.extui %lt3A_66 : i1 to i32
    %cond3A = arith.constant 0 : i32
    %cond3A_67 = arith.cmpi ne, %convert_element_type3A, %cond3A : i32
    scf.if %cond3A_67 {
      %mul3A_68 = arith.constant 8 : i32
      %mul3A_69 = arith.muli %mul3A_68, %arg1 : i32
      %add3A_70 = arith.constant 10240 : i32
      %add3A_71 = arith.addi %add3A_70, %mul3A_69 : i32
      "tpu.region"() ({
        %run_scoped3A = tpu.sem_alloc : memref<!tpu.dma_semaphore, #tpu.memory_space<semaphore_mem>>
        %dma_start3A_76 = arith.constant 0 : i32
        %dma_start3A_77 = tpu.memref_slice %arg15[%add3A_71, %dma_start3A_76] : memref<10320x128xf32, #tpu.memory_space<vmem_shared>> -> memref<8x128xf32, #tpu.memory_space<vmem_shared>>
        %dma_start3A_78 = arith.constant 0 : i32
        %dma_start3A_79 = tpu.memref_slice %arg15[%add3A_71, %dma_start3A_78] : memref<10320x128xf32, #tpu.memory_space<vmem_shared>> -> memref<8x128xf32, #tpu.memory_space<vmem_shared>>
        tpu.enqueue_dma source(%dma_start3A_79 : memref<8x128xf32, #tpu.memory_space<vmem_shared>>) target(%arg13 : memref<8x128xf32, #tpu.memory_space<vmem>>) target_semaphore(%run_scoped3A : memref<!tpu.dma_semaphore, #tpu.memory_space<semaphore_mem>>)
        %dma_wait3A_80 = arith.constant 0 : i32
        %dma_wait3A_81 = tpu.memref_slice %arg15[%add3A_71, %dma_wait3A_80] : memref<10320x128xf32, #tpu.memory_space<vmem_shared>> -> memref<8x128xf32, #tpu.memory_space<vmem_shared>>
        %dma_wait3A_82 = arith.constant 0 : i32
        %dma_wait3A_83 = tpu.memref_slice %arg15[%add3A_71, %dma_wait3A_82] : memref<10320x128xf32, #tpu.memory_space<vmem_shared>> -> memref<8x128xf32, #tpu.memory_space<vmem_shared>>
        tpu.wait_dma2 semaphore(%run_scoped3A : memref<!tpu.dma_semaphore, #tpu.memory_space<semaphore_mem>>) src(%dma_wait3A_83 : memref<8x128xf32, #tpu.memory_space<vmem_shared>>) dst(%arg13 : memref<8x128xf32, #tpu.memory_space<vmem>>)
        tpu.yield
      }) : () -> ()
      %mul3A_72 = arith.constant 8 : i32
      %mul3A_73 = arith.muli %mul3A_72, %arg1 : i32
      %add3A_74 = arith.constant 10240 : i32
      %add3A_75 = arith.addi %add3A_74, %mul3A_73 : i32
      "tpu.region"() ({
        %run_scoped3A = tpu.sem_alloc : memref<!tpu.dma_semaphore, #tpu.memory_space<semaphore_mem>>
        %dma_start3A_76 = arith.constant 0 : i32
        %dma_start3A_77 = tpu.memref_slice %arg4[%arg0, %add3A_75, %dma_start3A_76] : memref<2x10320x128xf32, #tpu.memory_space<hbm>> -> memref<1x8x128xf32, #tpu.memory_space<hbm>>
        %dma_start3A_78 = tpu.memref_squeeze %dma_start3A_77 : memref<1x8x128xf32, #tpu.memory_space<hbm>> -> memref<8x128xf32, #tpu.memory_space<hbm>>
        %dma_start3A_79 = arith.constant 0 : i32
        %dma_start3A_80 = tpu.memref_slice %arg4[%arg0, %add3A_75, %dma_start3A_79] : memref<2x10320x128xf32, #tpu.memory_space<hbm>> -> memref<1x8x128xf32, #tpu.memory_space<hbm>>
        %dma_start3A_81 = tpu.memref_squeeze %dma_start3A_80 : memref<1x8x128xf32, #tpu.memory_space<hbm>> -> memref<8x128xf32, #tpu.memory_space<hbm>>
        tpu.enqueue_dma source(%arg13 : memref<8x128xf32, #tpu.memory_space<vmem>>) target(%dma_start3A_81 : memref<8x128xf32, #tpu.memory_space<hbm>>) target_semaphore(%run_scoped3A : memref<!tpu.dma_semaphore, #tpu.memory_space<semaphore_mem>>)
        %dma_wait3A_82 = arith.constant 0 : i32
        %dma_wait3A_83 = tpu.memref_slice %arg4[%arg0, %add3A_75, %dma_wait3A_82] : memref<2x10320x128xf32, #tpu.memory_space<hbm>> -> memref<1x8x128xf32, #tpu.memory_space<hbm>>
        %dma_wait3A_84 = tpu.memref_squeeze %dma_wait3A_83 : memref<1x8x128xf32, #tpu.memory_space<hbm>> -> memref<8x128xf32, #tpu.memory_space<hbm>>
        %dma_wait3A_85 = arith.constant 0 : i32
        %dma_wait3A_86 = tpu.memref_slice %arg4[%arg0, %add3A_75, %dma_wait3A_85] : memref<2x10320x128xf32, #tpu.memory_space<hbm>> -> memref<1x8x128xf32, #tpu.memory_space<hbm>>
        %dma_wait3A_87 = tpu.memref_squeeze %dma_wait3A_86 : memref<1x8x128xf32, #tpu.memory_space<hbm>> -> memref<8x128xf32, #tpu.memory_space<hbm>>
        tpu.wait_dma2 semaphore(%run_scoped3A : memref<!tpu.dma_semaphore, #tpu.memory_space<semaphore_mem>>) src(%arg13 : memref<8x128xf32, #tpu.memory_space<vmem>>) dst(%dma_wait3A_87 : memref<8x128xf32, #tpu.memory_space<hbm>>)
        tpu.yield
      }) : () -> ()
    } else {
    }
    return
  }
}

module attributes {stable_mosaic.version = 14 : i64} {
  func.func @body(%arg0: i32, %arg1: memref<2x400x128xf32, #tpu.memory_space<vmem>>, %arg2: memref<2x400x1xf32, #tpu.memory_space<vmem>>, %arg3: memref<400x128xf32, #tpu.memory_space<vmem>>, %arg4: memref<128x128xf32, #tpu.memory_space<vmem>>, %arg5: memref<128x128xf32, #tpu.memory_space<vmem>>, %arg6: memref<1x128xf32, #tpu.memory_space<vmem>>, %arg7: memref<400x128xf32, #tpu.memory_space<vmem>>) attributes {dimension_semantics = [#tpu.dimension_semantics<arbitrary>], iteration_bounds = array<i64: 25>, scalar_prefetch = 0 : i64, scratch_operands = 0 : i64, tpu.core_type = #tpu.core_type<tc>, window_params = [{transform_indices = @transform_0, window_bounds = array<i64: 2, 400, 128>}, {transform_indices = @transform_1, window_bounds = array<i64: 2, 400, 1>}, {transform_indices = @transform_2, window_bounds = array<i64: 400, 128>}, {pipeline_mode = #tpu.pipeline_mode<synchronous>, transform_indices = @transform_3, window_bounds = array<i64: 128, 128>}, {pipeline_mode = #tpu.pipeline_mode<synchronous>, transform_indices = @transform_4, window_bounds = array<i64: 128, 128>}, {pipeline_mode = #tpu.pipeline_mode<synchronous>, transform_indices = @transform_5, window_bounds = array<i64: 1, 128>}, {transform_indices = @transform_6, window_bounds = array<i64: 400, 128>}]} {
    %get3A = arith.constant 0 : index
    %get3A_0 = arith.constant 0 : index
    %get3A_1 = arith.constant 0 : index
    %get3A_2 = vector.load %arg1[%get3A, %get3A_0, %get3A_1] : memref<2x400x128xf32, #tpu.memory_space<vmem>>, vector<1x400x128xf32>
    %get3A_3 = vector.shape_cast %get3A_2 : vector<1x400x128xf32> to vector<400x128xf32>
    %get3A_4 = arith.constant 1 : index
    %get3A_5 = arith.constant 0 : index
    %get3A_6 = arith.constant 0 : index
    %get3A_7 = vector.load %arg1[%get3A_4, %get3A_5, %get3A_6] : memref<2x400x128xf32, #tpu.memory_space<vmem>>, vector<1x400x128xf32>
    %get3A_8 = vector.shape_cast %get3A_7 : vector<1x400x128xf32> to vector<400x128xf32>
    %add3A = arith.addf %get3A_3, %get3A_8 : vector<400x128xf32>
    %get3A_9 = arith.constant 0 : index
    %get3A_10 = arith.constant 0 : index
    %get3A_11 = arith.constant 0 : index
    %get3A_12 = vector.load %arg2[%get3A_9, %get3A_10, %get3A_11] : memref<2x400x1xf32, #tpu.memory_space<vmem>>, vector<1x400x1xf32>
    %get3A_13 = vector.shape_cast %get3A_12 : vector<1x400x1xf32> to vector<400x1xf32>
    %get3A_14 = arith.constant 1 : index
    %get3A_15 = arith.constant 0 : index
    %get3A_16 = arith.constant 0 : index
    %get3A_17 = vector.load %arg2[%get3A_14, %get3A_15, %get3A_16] : memref<2x400x1xf32, #tpu.memory_space<vmem>>, vector<1x400x1xf32>
    %get3A_18 = vector.shape_cast %get3A_17 : vector<1x400x1xf32> to vector<400x1xf32>
    %add3A_19 = arith.addf %get3A_13, %get3A_18 : vector<400x1xf32>
    %max3A = arith.constant 1.000000e+00 : f32
    %max3A_20 = vector.broadcast %max3A : f32 to vector<400x1xf32>
    %max3A_21 = arith.maximumf %add3A_19, %max3A_20 : vector<400x1xf32>
    %div3A = vector.broadcast %max3A_21 : vector<400x1xf32> to vector<400x128xf32>
    %div3A_22 = arith.divf %add3A, %div3A : vector<400x128xf32>
    %get3A_23 = arith.constant 0 : index
    %get3A_24 = arith.constant 0 : index
    %get3A_25 = vector.load %arg4[%get3A_23, %get3A_24] : memref<128x128xf32, #tpu.memory_space<vmem>>, vector<128x128xf32>
    %dot_general3A = arith.constant dense<0.000000e+00> : vector<400x128xf32>
    %dot_general3A_26 = tpu.matmul %div3A_22, %get3A_25, %dot_general3A {dimension_numbers = #tpu.dot_dimension_numbers<[1], [0], [0], [1], [0, 0, 1, 1], [], []>, precision = #tpu.contract_precision<fp32>, transpose_lhs_hint = false} : vector<400x128xf32>, vector<128x128xf32>, vector<400x128xf32> -> vector<400x128xf32>
    %get3A_27 = arith.constant 0 : index
    %get3A_28 = arith.constant 0 : index
    %get3A_29 = vector.load %arg3[%get3A_27, %get3A_28] : memref<400x128xf32, #tpu.memory_space<vmem>>, vector<400x128xf32>
    %get3A_30 = arith.constant 0 : index
    %get3A_31 = arith.constant 0 : index
    %get3A_32 = vector.load %arg5[%get3A_30, %get3A_31] : memref<128x128xf32, #tpu.memory_space<vmem>>, vector<128x128xf32>
    %dot_general3A_33 = arith.constant dense<0.000000e+00> : vector<400x128xf32>
    %dot_general3A_34 = tpu.matmul %get3A_29, %get3A_32, %dot_general3A_33 {dimension_numbers = #tpu.dot_dimension_numbers<[1], [0], [0], [1], [0, 0, 1, 1], [], []>, precision = #tpu.contract_precision<fp32>, transpose_lhs_hint = false} : vector<400x128xf32>, vector<128x128xf32>, vector<400x128xf32> -> vector<400x128xf32>
    %add3A_35 = arith.addf %dot_general3A_26, %dot_general3A_34 : vector<400x128xf32>
    %get3A_36 = arith.constant 0 : index
    %get3A_37 = arith.constant 0 : index
    %get3A_38 = vector.load %arg6[%get3A_36, %get3A_37] : memref<1x128xf32, #tpu.memory_space<vmem>>, vector<1x128xf32>
    %add3A_39 = vector.broadcast %get3A_38 : vector<1x128xf32> to vector<400x128xf32>
    %add3A_40 = arith.addf %add3A_35, %add3A_39 : vector<400x128xf32>
    %max3A_41 = arith.constant 0.000000e+00 : f32
    %max3A_42 = vector.broadcast %max3A_41 : f32 to vector<400x128xf32>
    %max3A_43 = arith.maximumf %add3A_40, %max3A_42 : vector<400x128xf32>
    %swap3A = arith.constant 0 : index
    %swap3A_44 = arith.constant 0 : index
    %swap3A_45 = vector.load %arg7[%swap3A, %swap3A_44] : memref<400x128xf32, #tpu.memory_space<vmem>>, vector<400x128xf32>
    tpu.vector_store %arg7[%swap3A, %swap3A_44], %max3A_43 {strides = array<i32>} : memref<400x128xf32, #tpu.memory_space<vmem>>, vector<400x128xf32>,
    return
  }
  func.func @transform_0(%arg0: i32) -> (i32, i32, i32) {
    %c0_i32 = arith.constant 0 : i32
    %c0_i32_0 = arith.constant 0 : i32
    %c0_i32_1 = arith.constant 0 : i32
    return %c0_i32, %arg0, %c0_i32_0 : i32, i32, i32
  }
  func.func @transform_1(%arg0: i32) -> (i32, i32, i32) {
    %c0_i32 = arith.constant 0 : i32
    %c0_i32_0 = arith.constant 0 : i32
    %c0_i32_1 = arith.constant 0 : i32
    return %c0_i32, %arg0, %c0_i32_0 : i32, i32, i32
  }
  func.func @transform_2(%arg0: i32) -> (i32, i32) {
    %c0_i32 = arith.constant 0 : i32
    %c0_i32_0 = arith.constant 0 : i32
    return %arg0, %c0_i32 : i32, i32
  }
  func.func @transform_3(%arg0: i32) -> (i32, i32) {
    %c0_i32 = arith.constant 0 : i32
    %c0_i32_0 = arith.constant 0 : i32
    %c0_i32_1 = arith.constant 0 : i32
    return %c0_i32, %c0_i32_0 : i32, i32
  }
  func.func @transform_4(%arg0: i32) -> (i32, i32) {
    %c0_i32 = arith.constant 0 : i32
    %c0_i32_0 = arith.constant 0 : i32
    %c0_i32_1 = arith.constant 0 : i32
    return %c0_i32, %c0_i32_0 : i32, i32
  }
  func.func @transform_5(%arg0: i32) -> (i32, i32) {
    %c0_i32 = arith.constant 0 : i32
    %c0_i32_0 = arith.constant 0 : i32
    %c0_i32_1 = arith.constant 0 : i32
    return %c0_i32, %c0_i32_0 : i32, i32
  }
  func.func @transform_6(%arg0: i32) -> (i32, i32) {
    %c0_i32 = arith.constant 0 : i32
    %c0_i32_0 = arith.constant 0 : i32
    return %arg0, %c0_i32 : i32, i32
  }
}

module attributes {stable_mosaic.version = 14 : i64} {
  func.func @body(%arg0: i32, %arg1: memref<2x400x128xf32, #tpu.memory_space<vmem>>, %arg2: memref<2x400x1xf32, #tpu.memory_space<vmem>>, %arg3: memref<400x128xf32, #tpu.memory_space<vmem>>, %arg4: memref<128x128xf32, #tpu.memory_space<vmem>>, %arg5: memref<128x128xf32, #tpu.memory_space<vmem>>, %arg6: memref<1x128xf32, #tpu.memory_space<vmem>>, %arg7: memref<400x128xf32, #tpu.memory_space<vmem>>) attributes {dimension_semantics = [#tpu.dimension_semantics<arbitrary>], iteration_bounds = array<i64: 25>, scalar_prefetch = 0 : i64, scratch_operands = 0 : i64, tpu.core_type = #tpu.core_type<tc>, window_params = [{transform_indices = @transform_0, window_bounds = array<i64: 2, 400, 128>}, {transform_indices = @transform_1, window_bounds = array<i64: 2, 400, 1>}, {transform_indices = @transform_2, window_bounds = array<i64: 400, 128>}, {pipeline_mode = #tpu.pipeline_mode<synchronous>, transform_indices = @transform_3, window_bounds = array<i64: 128, 128>}, {pipeline_mode = #tpu.pipeline_mode<synchronous>, transform_indices = @transform_4, window_bounds = array<i64: 128, 128>}, {pipeline_mode = #tpu.pipeline_mode<synchronous>, transform_indices = @transform_5, window_bounds = array<i64: 1, 128>}, {transform_indices = @transform_6, window_bounds = array<i64: 400, 128>}]} {
    %get3A = arith.constant 0 : index
    %get3A_0 = arith.constant 0 : index
    %get3A_1 = arith.constant 0 : index
    %get3A_2 = vector.load %arg1[%get3A, %get3A_0, %get3A_1] : memref<2x400x128xf32, #tpu.memory_space<vmem>>, vector<1x400x128xf32>
    %get3A_3 = vector.shape_cast %get3A_2 : vector<1x400x128xf32> to vector<400x128xf32>
    %get3A_4 = arith.constant 1 : index
    %get3A_5 = arith.constant 0 : index
    %get3A_6 = arith.constant 0 : index
    %get3A_7 = vector.load %arg1[%get3A_4, %get3A_5, %get3A_6] : memref<2x400x128xf32, #tpu.memory_space<vmem>>, vector<1x400x128xf32>
    %get3A_8 = vector.shape_cast %get3A_7 : vector<1x400x128xf32> to vector<400x128xf32>
    %add3A = arith.addf %get3A_3, %get3A_8 : vector<400x128xf32>
    %get3A_9 = arith.constant 0 : index
    %get3A_10 = arith.constant 0 : index
    %get3A_11 = arith.constant 0 : index
    %get3A_12 = vector.load %arg2[%get3A_9, %get3A_10, %get3A_11] : memref<2x400x1xf32, #tpu.memory_space<vmem>>, vector<1x400x1xf32>
    %get3A_13 = vector.shape_cast %get3A_12 : vector<1x400x1xf32> to vector<400x1xf32>
    %get3A_14 = arith.constant 1 : index
    %get3A_15 = arith.constant 0 : index
    %get3A_16 = arith.constant 0 : index
    %get3A_17 = vector.load %arg2[%get3A_14, %get3A_15, %get3A_16] : memref<2x400x1xf32, #tpu.memory_space<vmem>>, vector<1x400x1xf32>
    %get3A_18 = vector.shape_cast %get3A_17 : vector<1x400x1xf32> to vector<400x1xf32>
    %add3A_19 = arith.addf %get3A_13, %get3A_18 : vector<400x1xf32>
    %max3A = arith.constant 1.000000e+00 : f32
    %max3A_20 = vector.broadcast %max3A : f32 to vector<400x1xf32>
    %max3A_21 = arith.maximumf %add3A_19, %max3A_20 : vector<400x1xf32>
    %div3A = vector.broadcast %max3A_21 : vector<400x1xf32> to vector<400x128xf32>
    %div3A_22 = arith.divf %add3A, %div3A : vector<400x128xf32>
    %get3A_23 = arith.constant 0 : index
    %get3A_24 = arith.constant 0 : index
    %get3A_25 = vector.load %arg4[%get3A_23, %get3A_24] : memref<128x128xf32, #tpu.memory_space<vmem>>, vector<128x128xf32>
    %dot_general3A = arith.constant dense<0.000000e+00> : vector<400x128xf32>
    %dot_general3A_26 = tpu.matmul %div3A_22, %get3A_25, %dot_general3A {dimension_numbers = #tpu.dot_dimension_numbers<[1], [0], [0], [1], [0, 0, 1, 1], [], []>, precision = #tpu.contract_precision<fp32>, transpose_lhs_hint = false} : vector<400x128xf32>, vector<128x128xf32>, vector<400x128xf32> -> vector<400x128xf32>
    %get3A_27 = arith.constant 0 : index
    %get3A_28 = arith.constant 0 : index
    %get3A_29 = vector.load %arg3[%get3A_27, %get3A_28] : memref<400x128xf32, #tpu.memory_space<vmem>>, vector<400x128xf32>
    %get3A_30 = arith.constant 0 : index
    %get3A_31 = arith.constant 0 : index
    %get3A_32 = vector.load %arg5[%get3A_30, %get3A_31] : memref<128x128xf32, #tpu.memory_space<vmem>>, vector<128x128xf32>
    %dot_general3A_33 = arith.constant dense<0.000000e+00> : vector<400x128xf32>
    %dot_general3A_34 = tpu.matmul %get3A_29, %get3A_32, %dot_general3A_33 {dimension_numbers = #tpu.dot_dimension_numbers<[1], [0], [0], [1], [0, 0, 1, 1], [], []>, precision = #tpu.contract_precision<fp32>, transpose_lhs_hint = false} : vector<400x128xf32>, vector<128x128xf32>, vector<400x128xf32> -> vector<400x128xf32>
    %add3A_35 = arith.addf %dot_general3A_26, %dot_general3A_34 : vector<400x128xf32>
    %get3A_36 = arith.constant 0 : index
    %get3A_37 = arith.constant 0 : index
    %get3A_38 = vector.load %arg6[%get3A_36, %get3A_37] : memref<1x128xf32, #tpu.memory_space<vmem>>, vector<1x128xf32>
    %add3A_39 = vector.broadcast %get3A_38 : vector<1x128xf32> to vector<400x128xf32>
    %add3A_40 = arith.addf %add3A_35, %add3A_39 : vector<400x128xf32>
    %reduce_max3A = arith.constant dense<0xFF800000> : vector<400xf32>
    %reduce_max3A_41 = vector.multi_reduction <maximumf>, %add3A_40, %reduce_max3A [1] : vector<400x128xf32> to vector<400xf32>
    %broadcast_in_dim3A = vector.shape_cast %reduce_max3A_41 : vector<400xf32> to vector<400x1xf32>
    %sub3A = vector.broadcast %broadcast_in_dim3A : vector<400x1xf32> to vector<400x128xf32>
    %sub3A_42 = arith.subf %add3A_40, %sub3A : vector<400x128xf32>
    %sub3A_43 = vector.broadcast %broadcast_in_dim3A : vector<400x1xf32> to vector<400x128xf32>
    %sub3A_44 = arith.subf %add3A_40, %sub3A_43 : vector<400x128xf32>
    %exp3A = math.exp %sub3A_44 : vector<400x128xf32>
    %reduce_sum3A = arith.constant dense<0.000000e+00> : vector<400xf32>
    %reduce_sum3A_45 = vector.multi_reduction <add>, %exp3A, %reduce_sum3A [1] : vector<400x128xf32> to vector<400xf32>
    %broadcast_in_dim3A_46 = vector.shape_cast %reduce_sum3A_45 : vector<400xf32> to vector<400x1xf32>
    %log3A = math.log %broadcast_in_dim3A_46 : vector<400x1xf32>
    %sub3A_47 = vector.broadcast %log3A : vector<400x1xf32> to vector<400x128xf32>
    %sub3A_48 = arith.subf %sub3A_42, %sub3A_47 : vector<400x128xf32>
    %swap3A = arith.constant 0 : index
    %swap3A_49 = arith.constant 0 : index
    %swap3A_50 = vector.load %arg7[%swap3A, %swap3A_49] : memref<400x128xf32, #tpu.memory_space<vmem>>, vector<400x128xf32>
    tpu.vector_store %arg7[%swap3A, %swap3A_49], %sub3A_48 {strides = array<i32>} : memref<400x128xf32, #tpu.memory_space<vmem>>, vector<400x128xf32>,
    return
  }
  func.func @transform_0(%arg0: i32) -> (i32, i32, i32) {
    %c0_i32 = arith.constant 0 : i32
    %c0_i32_0 = arith.constant 0 : i32
    %c0_i32_1 = arith.constant 0 : i32
    return %c0_i32, %arg0, %c0_i32_0 : i32, i32, i32
  }
  func.func @transform_1(%arg0: i32) -> (i32, i32, i32) {
    %c0_i32 = arith.constant 0 : i32
    %c0_i32_0 = arith.constant 0 : i32
    %c0_i32_1 = arith.constant 0 : i32
    return %c0_i32, %arg0, %c0_i32_0 : i32, i32, i32
  }
  func.func @transform_2(%arg0: i32) -> (i32, i32) {
    %c0_i32 = arith.constant 0 : i32
    %c0_i32_0 = arith.constant 0 : i32
    return %arg0, %c0_i32 : i32, i32
  }
  func.func @transform_3(%arg0: i32) -> (i32, i32) {
    %c0_i32 = arith.constant 0 : i32
    %c0_i32_0 = arith.constant 0 : i32
    %c0_i32_1 = arith.constant 0 : i32
    return %c0_i32, %c0_i32_0 : i32, i32
  }
  func.func @transform_4(%arg0: i32) -> (i32, i32) {
    %c0_i32 = arith.constant 0 : i32
    %c0_i32_0 = arith.constant 0 : i32
    %c0_i32_1 = arith.constant 0 : i32
    return %c0_i32, %c0_i32_0 : i32, i32
  }
  func.func @transform_5(%arg0: i32) -> (i32, i32) {
    %c0_i32 = arith.constant 0 : i32
    %c0_i32_0 = arith.constant 0 : i32
    %c0_i32_1 = arith.constant 0 : i32
    return %c0_i32, %c0_i32_0 : i32, i32
  }
  func.func @transform_6(%arg0: i32) -> (i32, i32) {
    %c0_i32 = arith.constant 0 : i32
    %c0_i32_0 = arith.constant 0 : i32
    return %arg0, %c0_i32 : i32, i32
  }
}

</mosaic_0001>

<sc_bundles>
// kernel: kernel.6.cloned.1.call-start
scs
__scs_entry_jumppad:
0x0: {  	(pc) =	sbr.rel $0x88, $3  }
0x1: {  	(tag) =	ssettag $0x0;
	lr =	simm.s32 $0x1  }
0x2: {  	[smem:$0x3F98] =	sst lr;
	_ =	strace $0xD0000000  }
0x3: {  	_ = 	snop  }
0x4: {  	_ = 	snop  }
0x5: {  	_ = 	snop  }
0x6: {  	_ = 	snop  }
0x7: {  	_ = 	snop  }
__scs_overlays_trampoline_lowered:
0x8: {  	[smem:$0x3FA7] =	sst s0  }
0x9: {  	[smem:$0x3FA8] =	sst s1  }
0xa: {  	[smem:$0x3FA9] =	sst s2  }
0xb: {  	[smem:$0x3FAA] =	sst s3  }
0xc: {  	[smem:$0x3FAB] =	sst s4  }
0xd: {  	[smem:$0x3FAC] =	sst s5  }
0xe: {  	[smem:$0x3FAD] =	sst s6  }
0xf: {  	[smem:$0x3FAE] =	sst s7  }
0x10: {  	[smem:$0x3FAF] =	sst s8  }
0x11: {  	[smem:$0x3FB0] =	sst s9;
	s0 =	simm.s32 @!p0 $0x0  }
0x12: {  	s1 =	sld [smem:$0x3F96];
	s0 =	simm.s32 @p0 $0x1  }
0x13: {  	[smem:$0x3FB1] =	sst s0;
	s0 =	simm.s32 @!p1 $0x0  }
0x14: {  	s2 =	sld [smem:$0x3F95];
	s0 =	simm.s32 @p1 $0x1  }
0x15: {  	[smem:$0x3FB2] =	sst s0;
	s0 =	simm.s32 @!p2 $0x0  }
0x16: {  	s3 =	sld [smem:$0x3FDB];
	s0 =	simm.s32 @p2 $0x1  }
0x17: {  	s4 =	simm.s32 $0x1BF5;
	[smem:$0x3FB4] =	sst s0  }
0x18: {  	s0 =	sld [smem:$0x3F97];
	_ =	swait.ge [sflag:s4], $0x0  }
0x19: {  	s7 =	sld [smem:$0x3F98]  }
0x1a: {  	s8 =	sadd.s32 $0xFFFFE003, lr  }
0x1b: {  	s9 =	sadd.s32 $0xFFFFFEF7, lr;
	s5 =	simm.s32 $0xFFFFFFFF;
	p2 =	slt.u32 s8, $0xFFFFF086  }
0x1c: {  	p1 =	slt.u32 s9, $0xF7A;
	s5 =	simm.s32 @!p2 $0x0  }
0x1d: {  	s5 =	simm.s32 @p1 $0x1;
	p0 =	seq.s32 s7, s2  }
0x1e: {  	s7 =	smul.u32 @!p0 $0xF7A, s2;
	p2 =	seq.s32 @!p0 s5, $0x0  }
0x1f: {  	s9 =	smul.u32 $0xF7A, s1;
	s8 =	simm.s32 @!p0 $0x1BF5;
	p2 =	por !p2, p0  }
0x20: {  	[sflag:s8] =	ssyncset.s32 @!p0 $0xFFFFF086;
	s6 =	sadd.s32 @!p0 s3, s7;
	s7 =	simm.s32 @!p0 $0x108  }
0x21: {  	s3 =	sadd.s32 s3, s9;
	s6 =	sadd.s32 @!p0 $0x88, s6;
	s7 =	simm.s32 @p2 $0x1082  }
0x22: {  	[simem:s7], [sflag:s8] =	dma.local @!p0 [hbm:s6], $0xF7A  }
0x23: {  	s9 =	sor.u32 $0xD0000000, s2;
	s6 =	simm.s32 $0x108;
	_ =	swait.ge @!p0 [sflag:s8], $0x0  }
0x24: {  	s3 =	sadd.s32 $0x88, s3;
	s6 =	simm.s32 @!p1 $0x1082;
	[sflag:s4] =	ssyncset.s32 $0xFFFFF086  }
0x25: {  	[simem:s6], [sflag:s4] =	dma.local [hbm:s3], $0xF7A  }
0x26: {  	[smem:$0x3F98] =	sst s1;
	(tag) =	ssettag s2;
	_ =	strace s9  }
0x27: {  	s1 =	sld [smem:$0x3FA8]  }
0x28: {  	s2 =	sld [smem:$0x3FA9]  }
0x29: {  	s4 =	sld [smem:$0x3FAB]  }
0x2a: {  	p0 =	seq.s32 s5, $0x0;
	s5 =	sld [smem:$0x3FAC]  }
0x2b: {  	s6 =	sld [smem:$0x3FAD]  }
0x2c: {  	s7 =	sld [smem:$0x3FAE]  }
0x2d: {  	s3 =	simm.s32 $0x108;
	s8 =	sld [smem:$0x3FAF]  }
0x2e: {  	s3 =	simm.s32 @!p0 $0x1082;
	s9 =	sld [smem:$0x3FB0]  }
0x2f: {  	lr =	sadd.s32 s0, s3;
	s0 =	sld [smem:$0x3FA7]  }
0x30: {  	s3 =	sld [smem:$0x3FAA]  }
0x31: {  	[smem:$0x3FB3] =	sst s10  }
0x32: {  	s10 =	sld [smem:$0x3FB1];
	_ =	sdelay $0x3  }
0x33: {  	p0 =	seq.s32 s10, $0x1;
	s10 =	sld [smem:$0x3FB3];
	_ =	sdelay $0x3  }
0x34: {  	[smem:$0x3FB3] =	sst s10  }
0x35: {  	s10 =	sld [smem:$0x3FB2];
	_ =	sdelay $0x3  }
0x36: {  	p1 =	seq.s32 s10, $0x1;
	s10 =	sld [smem:$0x3FB3];
	_ =	sdelay $0x3  }
0x37: {  	[smem:$0x3FB3] =	sst s10  }
0x38: {  	s10 =	sld [smem:$0x3FB4]  }
0x39: {  	_ = 	snop;
	(pc) =	sbr.ind lr, $3  }
0x3a: {  	_ = 	snop  }
0x3b: {  	_ = 	snop  }
0x3c: {  	p2 =	seq.s32 s10, $0x1;
	s10 =	sld [smem:$0x3FB3]  }
0x3d: {  	_ =	shalt  }
0x3e: {  	_ =	shalt  }
0x3f: {  	_ =	shalt  }
0x40: {  	_ =	shalt  }
0x41: {  	_ =	shalt  }
0x42: {  	_ =	shalt  }
0x43: {  	_ =	shalt  }
0x44: {  	_ =	shalt  }
0x45: {  	_ =	shalt  }
0x46: {  	_ =	shalt  }
0x47: {  	_ =	shalt  }
0x48: {  	_ =	shalt  }
0x49: {  	_ =	shalt  }
0x4a: {  	_ =	shalt  }
0x4b: {  	_ =	shalt  }
0x4c: {  	_ =	shalt  }
0x4d: {  	_ =	shalt  }
0x4e: {  	_ =	shalt  }
0x4f: {  	_ =	shalt  }
0x50: {  	_ =	shalt  }
0x51: {  	_ =	shalt  }
0x52: {  	_ =	shalt  }
0x53: {  	_ =	shalt  }
0x54: {  	_ =	shalt  }
0x55: {  	_ =	shalt  }
0x56: {  	_ =	shalt  }
0x57: {  	_ =	shalt  }
0x58: {  	_ =	shalt  }
0x59: {  	_ =	shalt  }
0x5a: {  	_ =	shalt  }
0x5b: {  	_ =	shalt  }
0x5c: {  	_ =	shalt  }
0x5d: {  	_ =	shalt  }
0x5e: {  	_ =	shalt  }
0x5f: {  	_ =	shalt  }
0x60: {  	_ =	shalt  }
0x61: {  	_ =	shalt  }
0x62: {  	_ =	shalt  }
0x63: {  	_ =	shalt  }
0x64: {  	_ =	shalt  }
0x65: {  	_ =	shalt  }
0x66: {  	_ =	shalt  }
0x67: {  	_ =	shalt  }
0x68: {  	_ =	shalt  }
0x69: {  	_ =	shalt  }
0x6a: {  	_ =	shalt  }
0x6b: {  	_ =	shalt  }
0x6c: {  	_ =	shalt  }
0x6d: {  	_ =	shalt  }
0x6e: {  	_ =	shalt  }
0x6f: {  	_ =	shalt  }
0x70: {  	_ =	shalt  }
0x71: {  	_ =	shalt  }
0x72: {  	_ =	shalt  }
0x73: {  	_ =	shalt  }
0x74: {  	_ =	shalt  }
0x75: {  	_ =	shalt  }
0x76: {  	_ =	shalt  }
0x77: {  	_ =	shalt  }
0x78: {  	_ =	shalt  }
0x79: {  	_ =	shalt  }
0x7a: {  	_ =	shalt  }
0x7b: {  	_ =	shalt  }
0x7c: {  	_ =	shalt  }
0x7d: {  	_ =	shalt  }
0x7e: {  	_ =	shalt  }
0x7f: {  	_ =	shalt  }
0x80: {  	_ =	shalt  }
0x81: {  	_ =	shalt  }
0x82: {  	_ =	shalt  }
0x83: {  	_ =	shalt  }
0x84: {  	_ =	shalt  }
0x85: {  	_ =	shalt  }
0x86: {  	_ =	shalt  }
0x87: {  	_ =	shalt  }
.Lfunc_end0:
.L_simem_size_0:
called_computation_lowered:
.L_overlay_start_0:
0x88: {  	s2 =	sld [smem:$0x3FD9]  }
0x89: {  	s3 =	sld [smem:$0x3FFE];
	_ =	sdelay $0x1  }
0x8a: {  	s1 =	srdreg.scid  }
0x8b: {  	s0 =	sand.u32 $0x1, s1  }
0x8c: {  	s17 =	sshll.u32 s0, $0xA;
	s2 =	sadd.s32 s3, s2  }
0x8d: {  	s2 =	sadd.s32 s2, s17  }
0x8e: {  	[smem:$0x3FBF] =	sst s2  }
0x8f: {  	_ = 	snop  }
0x90: {  	s2 =	sld [smem:$0x3FC9]  }
0x91: {  	s18 =	sld [smem:$0x3FD0];
	(tm) =	ssettm $0x1  }
0x92: {  	s4 =	sld [smem:$0x3FFB];
	_ =	sdelay $0x3  }
0x93: {  	_ =	strace s4  }
0x94: {  	s4 =	sld [smem:$0x3FFC];
	_ =	sdelay $0x3  }
0x95: {  	_ =	strace s4  }
0x96: {  	s4 =	sld [smem:$0x3FFD];
	_ =	sdelay $0x3  }
0x97: {  	_ =	strace s4  }
0x98: {  	_ =	strace $0x8FFFFFFF  }
0x99: {  	s19 =	sld [smem:$0x3FDB];
	_ =	sdelay $0x1  }
0x9a: {  	s5 =	simm.s32 $_scs_section_size  }
0x9b: {  	s6 =	simm.s32 $_size__tile_overlayer_lowered;
	s7 =	simm.s32 $_tile_overlayer_lowered  }
0x9c: {  	s22 =	simm.s32 $0x1BFF;
	s21 =	sshll.u32 s7, $0x1;
	s4 =	sadd.s32 s5, s19  }
0x9d: {  	s8 =	simm.s32 $0x0;
	s20 =	sshll.u32 s6, $0x1;
	s6 =	sadd.s32 s21, s4  }
0x9e: {  	[timem:s8], [sflag:s22] =	dma.local [hbm:s6], s20  }
0x9f: {  	_ =	swait.ge [sflag:s22], s20  }
0xa0: {  	s5 =	ssub.s32 $0x0, s20;
	[sflag:s22] =	ssyncset.done $0x0  }
0xa1: {  	[sflag:s22] =	ssyncadd.s32 s5;
	_ =	sdelay $0x1  }
0xa2: {  	s23 =	simm.s32 $0x1B8B  }
0xa3: {  	_ =	swait.ge [sflag:s23], $0x1  }
0xa4: {  	[sflag:s23] =	ssyncset.done $0x0  }
0xa5: {  	s25 =	simm.s32 $0x1B8E;
	s24 =	sld [smem:$0x3FFE];
	[sflag:s23] =	ssyncadd.s32 $0xFFFFFFFF  }
0xa6: {  	s26 =	simm.s32 $execute0_lowered;
	[smem:$0x3FD2] =	sst s25  }
0xa7: {  	s6 =	sshll.u32 s26, $0x1;
	_ =	strace $0x80000046;
	[dreg:$0x1] =	wrdreg $0xFFFFFFFF  }
0xa8: {  	s28 =	simm.s32 $_size_execute0_lowered;
	s4 =	sadd.s32 s4, s6;
	[dreg:$0x0] =	wrdreg $0x0  }
0xa9: {  	s6 =	sshll.u32 s28, $0x1;
	[dreg:$0x2] =	wrdreg s4  }
0xaa: {  	[dreg:$0x3] =	wrdreg s6  }
0xab: {  	[dreg:$0x4] =	wrdreg $0xC0  }
0xac: {  	_ =	task [dreg:s8], $0x5FFFF  }
0xad: {  	[dreg:$0x1] =	wrdreg $0xFFFFFFFF  }
0xae: {  	[dreg:$0x0] =	wrdreg $0x60  }
0xaf: {  	[dreg:$0x2] =	wrdreg s2  }
0xb0: {  	[dreg:$0x3] =	wrdreg s18  }
0xb1: {  	[dreg:$0x4] =	wrdreg s24  }
0xb2: {  	[dreg:$0x5] =	wrdreg $0xA8000  }
0xb3: {  	[dreg:$0x6] =	wrdreg $0x9  }
0xb4: {  	_ =	task.clear_ibuf [dreg:s8], $0x7FFFF;
	_ =	strace $0x90000046  }
0xb5: {  	s29 =	simm.s32 $0x9;
	_ =	strace $0x80000048  }
0xb6: {  	_ =	swait.ge [sflag:s29], $0x1  }
0xb7: {  	[sflag:s29] =	ssyncadd.s32 $0xFFFFFFFF  }
0xb8: {  	_ =	strace $0x90000048  }
0xb9: {  	_ =	sfence  }
0xba: {  	s30 =	sld [smem:$0x0];
	_ =	sdelay $0x2  }
0xbb: {  	s31 =	sshll.u32 s1, $0xD;
	s1 =	sshrl.u32 s1, $0x2  }
0xbc: {  	s3 =	sand.u32 $0x4000, s31;
	s1 =	sadd.s32 s1, s30  }
0xbd: {  	s0 =	sor.u32 s3, s0;
	s1 =	sshll.u32 s1, $0x11  }
0xbe: {  	s0 =	sor.u32 s1, s0  }
0xbf: {  	s0 =	sadd.s32 $0x8F2B, s0  }
0xc0: {  	[sflag:s0] =	ssyncadd.remote.s32 $0x1  }
0xc1: {  	_ =	sfence.sel $0xFFFF  }
0xc2: {  	[dreg:$0x0] =	wrdreg $0xFFFFFFFF;
	(pc) =	sbr.abs _section_cstart, $3  }
0xc3: {  	[dreg:$0x1] =	wrdreg $0xFFFFFFFF  }
0xc4: {  	_ =	task.clear_ibuf [dreg:s8], $0x2FFFF;
	_ =	strace $0x9FFFFFFF  }
0xc5: {  	(tm) =	ssettm $0x7FFFFFFF  }
tec
execute0_lowered:
.L_overlay_start_1:
0x0: {  	(tag) =	ssettag $0x1  }
0x1: {  	s1 =	rddreg [dreg:$0x0]  }
0x2: {  	s2 =	rddreg [dreg:$0x1]  }
0x3: {  	s0 =	rddreg [dreg:$0x2]  }
0x4: {  	s3 =	rddreg [dreg:$0x3]  }
0x5: {  	s5 =	simm.s32 $0x0;
	s4 =	srdreg.scid;
	s18 =	stileid.u32  }
0x6: {  	s28 =	simm.s32 $0x5400;
	s29 =	simm.s32 $0x6;
	s31 =	simm.s32 $0x3  }
0x7: {  	s30 =	simm.s32 $0x200;
	[smem:$0x7FF] =	sst s5;
	s4 =	sand.u32 $0x1, s4  }
0x8: {  	s7 =	sshll.u32 s18, $0xA;
	s0 =	sadd.s32 $0x1800, s0;
	s10 =	smul.u32 $0x14000, s18  }
0x9: {  	s11 =	sshll.u32 s18, $0xF;
	p0 =	sgt.u32 s18, $0x9;
	s6 =	ssub.s32 $0x2, s4  }
0xa: {  	s8 =	smul.u32 $0x142800, s4;
	s7 =	sor.u32 $0x140000, s7;
	s4 =	sshll.u32 s4, $0xE  }
0xb: {  	s9 =	sshrl.u32 s6, $0x1;
	s13 =	sadd.s32 $0xA000, s10;
	s14 =	sadd.s32 $0xC800, s10  }
0xc: {  	s15 =	sadd.s32 $0xF000, s10;
	s9 =	ssub.s32 s6, s9;
	s23 =	sadd.s32 s8, s7  }
0xd: {  	s6 =	sor.u32 s4, s11;
	s4 =	sor.u32 $0x2800, s10;
	s11 =	sadd.s32 $0x5000, s10  }
0xe: {  	s16 =	sadd.s32 s8, s10;
	s22 =	sadd.s32 s8, s13;
	s7 =	sadd.s32 s7, s3  }
0xf: {  	s12 =	sshrl.u32 s23, $0x3;
	s16 =	sshrl.u32 s16, $0x3;
	s17 =	sadd.s32 s8, s4  }
0x10: {  	s26 =	sadd.s32 s8, s11;
	s23 =	sshrl.u32 s22, $0x3;
	s24 =	sadd.s32 s0, s12  }
0x11: {  	s12 =	sadd.s32 $0x7800, s10;
	s10 =	sadd.s32 $0x11800, s10;
	s16 =	sadd.s32 s0, s16  }
0x12: {  	s25 =	sshrl.u32 s17, $0x3;
	s19 =	sshrl.u32 s26, $0x3;
	[dreg:$0x5] =	wrdreg s24  }
0x13: {  	s26 =	sadd.s32 s8, s15;
	[dreg:$0x6] =	wrdreg s16;
	s16 =	sadd.s32 s0, s25  }
0x14: {  	s20 =	sadd.s32 s8, s12;
	s24 =	sadd.s32 s8, s14;
	s8 =	sadd.s32 s8, s10  }
0x15: {  	[dreg:$0x7] =	wrdreg s16;
	s16 =	sadd.s32 s0, s19;
	s21 =	sshrl.u32 s20, $0x3  }
0x16: {  	s25 =	sshrl.u32 s24, $0x3;
	s19 =	sshrl.u32 s26, $0x3;
	s8 =	sshrl.u32 s8, $0x3  }
0x17: {  	s20 =	smul.u32 $0x50000, s18;
	[dreg:$0x8] =	wrdreg s16;
	s16 =	sadd.s32 s0, s21  }
0x18: {  	s24 =	sadd.s32 s4, s3;
	[dreg:$0x9] =	wrdreg s16;
	s16 =	sadd.s32 s0, s23  }
0x19: {  	s26 =	sadd.s32 s12, s3;
	[dreg:$0xa] =	wrdreg s16;
	s16 =	sadd.s32 s0, s25  }
0x1a: {  	s4 =	simm.s32 $0x50;
	[dreg:$0xb] =	wrdreg s16;
	s16 =	sadd.s32 s0, s19  }
0x1b: {  	s12 =	simm.s32 $0x4;
	s0 =	sadd.s32 s0, s8;
	[dreg:$0xc] =	wrdreg s16  }
0x1c: {  	s18 =	simm.s32 $0x0;
	s21 =	sshrl.u32 s6, $0x3;
	[dreg:$0xd] =	wrdreg s0  }
0x1d: {  	s0 =	sadd.s32 s2, s21;
	_ =	strace $0x80000047;
	[dreg:$0xe] =	wrdreg s7  }
0x1e: {  	s22 =	sshrl.u32 s20, $0x2;
	s23 =	smax.u32 s9, $0x1;
	[dreg:$0xf] =	wrdreg s0  }
0x1f: {  	s9 =	simm.s32 $0x280;
	s25 =	sadd.s32 s11, s3;
	[dreg:$0x10] =	wrdreg s23  }
0x20: {  	s11 =	simm.s32 $0x2C00;
	s8 =	simm.s32 $0x1;
	[dreg:$0x12] =	wrdreg s24  }
.Ltmp0:
0x21: {  	s0 =	sadd.s32 s22, s3;
	[dreg:$0x13] =	wrdreg s25;
	(pc) =	sbr.rel .LBB2_1-.Ltmp0, $4  }
0x22: {  	[dreg:$0x14] =	wrdreg s26;
	s23 =	sadd.s32 s13, s3;
	s24 =	sadd.s32 s14, s3  }
0x23: {  	v0 =	vimm.f32 $0.0e+00;
	v1 =	vimm.s32 $0x0;
	v7 =	vlaneseq.u32;
	s25 =	sadd.s32 s15, s3;
	s26 =	sadd.s32 s10, s3;
	s7 =	simm.s32 $0x400  }
0x24: {  	v2 =	vimm.s32 $0x1;
	v3 =	vor.u32 $0x2800, v7;
	v4 =	vor.u32 $0x2810, v7;
	s10 =	simm.s32 $0x380;
	s13 =	simm.s32 $0x5;
	s14 =	simm.s32 $0x2  }
0x25: {  	v5 =	vor.u32 $0x2820, v7;
	v6 =	vor.u32 $0x2830, v7;
	v7 =	vor.u32 $0x2840, v7;
	s15 =	simm.s32 $0x300;
	[dreg:$0x11] =	wrdreg s0;
	s0 =	simm.s32 $0x8000  }
.LBB2_13:
0x26: {  	[spmem:s3] =	stream.indirect.scatter.add.f32 [tilespmem:s11], [sflag:$0x4], $0x80, s10, s4, $0xb8;
	[tilespmem:$0x1EA80] =	vst v63  }
0x27: {  	_ =	swait.ge [sflag:s12], $0x2800  }
0x28: {  	[sflag:s12] =	ssyncset.done $0x0  }
0x29: {  	[sflag:s12] =	ssyncadd.s32 $0xFFFFD800  }
0x2a: {  	_ =	swait.ge [sflag:s13], $0x2800  }
0x2b: {  	[sflag:s13] =	ssyncset.done $0x0  }
0x2c: {  	[sflag:s13] =	ssyncadd.s32 $0xFFFFD800  }
0x2d: {  	[bflag:$0x0] =	sbarrier.arrive $0xFFFF  }
0x2e: {  	s16 =	rddreg [dreg:$0x11]  }
0x2f: {  	[tilespmem:s28], [sflag:$0x6] =	stream.linear.gather [spmem:s16], $0x2800, $0x38;
	[tilespmem:$0x1EA80] =	vst v63  }
0x30: {  	_ =	swait.ge [sflag:s29], $0x2800  }
0x31: {  	[sflag:s29] =	ssyncset.done $0x0  }
0x32: {  	s21 =	rddreg [dreg:$0x6];
	[sflag:s29] =	ssyncadd.s32 $0xFFFFD800  }
0x33: {  	[hbm4b:s21+s5] =	stream.linear.scatter [tilespmem:s28], [sflag:$0x6], $0x2800, $0x38;
	[tilespmem:$0x1EA80] =	vst v63  }
0x34: {  	_ =	swait.ge [sflag:s29], $0x2800  }
0x35: {  	[sflag:s29] =	ssyncset.done $0x0  }
0x36: {  	s22 =	rddreg [dreg:$0x12];
	[sflag:s29] =	ssyncadd.s32 $0xFFFFD800  }
0x37: {  	[tilespmem:s28], [sflag:$0x6] =	stream.linear.gather [spmem:s22], $0x2800, $0x38;
	[tilespmem:$0x1EA80] =	vst v63  }
0x38: {  	_ =	swait.ge [sflag:s29], $0x2800  }
0x39: {  	[sflag:s29] =	ssyncset.done $0x0  }
0x3a: {  	s17 =	rddreg [dreg:$0x7];
	[sflag:s29] =	ssyncadd.s32 $0xFFFFD800  }
0x3b: {  	[hbm4b:s17+s5] =	stream.linear.scatter [tilespmem:s28], [sflag:$0x6], $0x2800, $0x38;
	[tilespmem:$0x1EA80] =	vst v63  }
0x3c: {  	_ =	swait.ge [sflag:s29], $0x2800  }
0x3d: {  	[sflag:s29] =	ssyncset.done $0x0  }
0x3e: {  	s19 =	rddreg [dreg:$0x13];
	[sflag:s29] =	ssyncadd.s32 $0xFFFFD800  }
0x3f: {  	[tilespmem:s28], [sflag:$0x6] =	stream.linear.gather [spmem:s19], $0x2800, $0x38;
	[tilespmem:$0x1EA80] =	vst v63  }
0x40: {  	_ =	swait.ge [sflag:s29], $0x2800  }
0x41: {  	[sflag:s29] =	ssyncset.done $0x0  }
0x42: {  	s20 =	rddreg [dreg:$0x8];
	[sflag:s29] =	ssyncadd.s32 $0xFFFFD800  }
0x43: {  	[hbm4b:s20+s5] =	stream.linear.scatter [tilespmem:s28], [sflag:$0x6], $0x2800, $0x38;
	[tilespmem:$0x1EA80] =	vst v63  }
0x44: {  	_ =	swait.ge [sflag:s29], $0x2800  }
0x45: {  	[sflag:s29] =	ssyncset.done $0x0  }
0x46: {  	s21 =	rddreg [dreg:$0x14];
	[sflag:s29] =	ssyncadd.s32 $0xFFFFD800  }
0x47: {  	[tilespmem:s28], [sflag:$0x6] =	stream.linear.gather [spmem:s21], $0x2800, $0x38;
	[tilespmem:$0x1EA80] =	vst v63  }
0x48: {  	_ =	swait.ge [sflag:s29], $0x2800  }
0x49: {  	[sflag:s29] =	ssyncset.done $0x0  }
0x4a: {  	s22 =	rddreg [dreg:$0x9];
	[sflag:s29] =	ssyncadd.s32 $0xFFFFD800  }
0x4b: {  	[hbm4b:s22+s5] =	stream.linear.scatter [tilespmem:s28], [sflag:$0x6], $0x2800, $0x38;
	[tilespmem:$0x1EA80] =	vst v63  }
0x4c: {  	_ =	swait.ge [sflag:s29], $0x2800  }
0x4d: {  	[sflag:s29] =	ssyncset.done $0x0  }
0x4e: {  	[sflag:s29] =	ssyncadd.s32 $0xFFFFD800  }
0x4f: {  	[tilespmem:s28], [sflag:$0x6] =	stream.linear.gather [spmem:s23], $0x2800, $0x38;
	[tilespmem:$0x1EA80] =	vst v63  }
0x50: {  	_ =	swait.ge [sflag:s29], $0x2800  }
0x51: {  	[sflag:s29] =	ssyncset.done $0x0  }
0x52: {  	s17 =	rddreg [dreg:$0xa];
	[sflag:s29] =	ssyncadd.s32 $0xFFFFD800  }
0x53: {  	[hbm4b:s17+s5] =	stream.linear.scatter [tilespmem:s28], [sflag:$0x6], $0x2800, $0x38;
	[tilespmem:$0x1EA80] =	vst v63  }
0x54: {  	_ =	swait.ge [sflag:s29], $0x2800  }
0x55: {  	[sflag:s29] =	ssyncset.done $0x0  }
0x56: {  	[sflag:s29] =	ssyncadd.s32 $0xFFFFD800  }
0x57: {  	[tilespmem:s28], [sflag:$0x6] =	stream.linear.gather [spmem:s24], $0x2800, $0x38;
	[tilespmem:$0x1EA80] =	vst v63  }
0x58: {  	_ =	swait.ge [sflag:s29], $0x2800  }
0x59: {  	[sflag:s29] =	ssyncset.done $0x0  }
0x5a: {  	s19 =	rddreg [dreg:$0xb];
	[sflag:s29] =	ssyncadd.s32 $0xFFFFD800  }
0x5b: {  	[hbm4b:s19+s5] =	stream.linear.scatter [tilespmem:s28], [sflag:$0x6], $0x2800, $0x38;
	[tilespmem:$0x1EA80] =	vst v63  }
0x5c: {  	_ =	swait.ge [sflag:s29], $0x2800  }
0x5d: {  	[sflag:s29] =	ssyncset.done $0x0  }
0x5e: {  	[sflag:s29] =	ssyncadd.s32 $0xFFFFD800  }
0x5f: {  	[tilespmem:s28], [sflag:$0x6] =	stream.linear.gather [spmem:s25], $0x2800, $0x38;
	[tilespmem:$0x1EA80] =	vst v63  }
0x60: {  	_ =	swait.ge [sflag:s29], $0x2800  }
0x61: {  	[sflag:s29] =	ssyncset.done $0x0  }
0x62: {  	s20 =	rddreg [dreg:$0xc];
	[sflag:s29] =	ssyncadd.s32 $0xFFFFD800  }
0x63: {  	[hbm4b:s20+s5] =	stream.linear.scatter [tilespmem:s28], [sflag:$0x6], $0x2800, $0x38;
	[tilespmem:$0x1EA80] =	vst v63  }
0x64: {  	_ =	swait.ge [sflag:s29], $0x2800  }
0x65: {  	[sflag:s29] =	ssyncset.done $0x0  }
0x66: {  	[sflag:s29] =	ssyncadd.s32 $0xFFFFD800  }
0x67: {  	[tilespmem:s28], [sflag:$0x6] =	stream.linear.gather [spmem:s26], $0x2800, $0x38;
	[tilespmem:$0x1EA80] =	vst v63  }
0x68: {  	_ =	swait.ge [sflag:s29], $0x2800  }
0x69: {  	[sflag:s29] =	ssyncset.done $0x0  }
0x6a: {  	s21 =	rddreg [dreg:$0xd];
	[sflag:s29] =	ssyncadd.s32 $0xFFFFD800  }
0x6b: {  	[hbm4b:s21+s5] =	stream.linear.scatter [tilespmem:s28], [sflag:$0x6], $0x2800, $0x38;
	[tilespmem:$0x1EA80] =	vst v63  }
0x6c: {  	_ =	swait.ge [sflag:s29], $0x2800  }
0x6d: {  	[sflag:s29] =	ssyncset.done $0x0  }
0x6e: {  	s16 =	simm.s32 @!p0 $0x7C00;
	s17 =	rddreg [dreg:$0xe];
	[sflag:s29] =	ssyncadd.s32 $0xFFFFD800  }
0x6f: {  	[tilespmem:s16], [sflag:$0x6] =	stream.linear.gather @!p0 [spmem:s17], $0x400, $0x38;
	[tilespmem:$0x1EA80] =	vst v63  }
0x70: {  	s17 =	simm.s32 @!p0 $0x6  }
0x71: {  	_ =	swait.ge @!p0 [sflag:s17], $0x400  }
0x72: {  	[sflag:s17] =	ssyncset.done @!p0 $0x0  }
0x73: {  	s19 =	simm.s32 @!p0 $0x0;
	s20 =	rddreg [dreg:$0x5];
	[sflag:s17] =	ssyncadd.s32 @!p0 $0xFFFFFC00  }
0x74: {  	[hbm4b:s20+s19] =	stream.linear.scatter @!p0 [tilespmem:s16], [sflag:$0x6], $0x400, $0x38;
	[tilespmem:$0x1EA80] =	vst v63  }
0x75: {  	_ =	swait.ge @!p0 [sflag:s17], $0x400  }
0x76: {  	s18 =	sadd.s32 $0x1, s18;
	s22 =	rddreg [dreg:$0x10]  }
0x77: {  	p1 =	sne.s32 s18, s22  }
.Ltmp1:
0x78: {  	_ = 	snop;
	(pc) =	sbr.rel @!p1 .LBB2_14-.Ltmp1, $3  }
0x79: {  	_ =	sdelay $0x1  }
0x7a: {  	[sflag:s17] =	ssyncset.done @!p0 $0x0  }
0x7b: {  	[sflag:s17] =	ssyncadd.s32 @!p0 $0xFFFFFC00  }
.LBB2_1:
0x7c: {  	s16 =	simm.s32 $0x0;
	s17 =	simm.s32 $0x200  }
.LBB2_2:
0x7d: {  	p1 =	sne.s32 s17, $0x9E00;
	[tilespmem:s16+$0x5470] =	vst v0  }
0x7e: {  	[tilespmem:s16+$0x5400] =	vst v0  }
0x7f: {  	[tilespmem:s16+$0x5410] =	vst v0  }
.Ltmp2:
0x80: {  	[tilespmem:s16+$0x5420] =	vst v0;
	(pc) =	sbr.rel @p1 .LBB2_2-.Ltmp2, $4  }
0x81: {  	[tilespmem:s16+$0x5430] =	vst v0  }
0x82: {  	[tilespmem:s16+$0x5440] =	vst v0  }
0x83: {  	[tilespmem:s16+$0x5450] =	vst v0  }
0x84: {  	[tilespmem:s16+$0x5460] =	vst v0;
	s16 =	sshra.s32 s17, $0x2;
	s17 =	sadd.s32 $0x200, s17  }
0x85: {  	[tilespmem:s16+$0x5470] =	vst v0  }
0x86: {  	[tilespmem:s16+$0x5400] =	vst v0  }
0x87: {  	[tilespmem:s16+$0x5410] =	vst v0  }
0x88: {  	[tilespmem:s16+$0x5420] =	vst v0  }
0x89: {  	[tilespmem:s16+$0x5430] =	vst v0  }
0x8a: {  	[tilespmem:s16+$0x5440] =	vst v0  }
0x8b: {  	[tilespmem:s16+$0x5450] =	vst v0  }
0x8c: {  	[tilespmem:s16+$0x5460] =	vst v0;
	s16 =	simm.s32 $0x40;
	s17 =	simm.s32 $0x0  }
.LBB2_4:
0x8d: {  	p1 =	sne.s32 s16, $0x9FC0;
	[tilespmem:s17+$0x8000] =	vst v1;
	s17 =	smov.u32 s16;
	s16 =	sadd.s32 $0x40, s16  }
.Ltmp3:
0x8e: {  	(pc) =	sbr.rel @p1 .LBB2_4-.Ltmp3, $2  }
0x8f: {  	_ =	sdelay $0x2  }
0x90: {  	s17 =	sshra.s32 s17, $0x2  }
0x91: {  	[tilespmem:s17+$0x8000] =	vst v1;
	s16 =	rddreg [dreg:$0x11]  }
0x92: {  	[spmem:s16] =	stream.linear.scatter [tilespmem:s28], [sflag:$0x6], $0x2800, $0x38;
	[tilespmem:$0x1EA80] =	vst v63  }
0x93: {  	_ =	swait.ge [sflag:s29], $0x2800  }
0x94: {  	[sflag:s29] =	ssyncset.done $0x0  }
0x95: {  	s17 =	rddreg [dreg:$0x12];
	[sflag:s29] =	ssyncadd.s32 $0xFFFFD800  }
0x96: {  	[spmem:s17] =	stream.linear.scatter [tilespmem:s28], [sflag:$0x6], $0x2800, $0x38;
	[tilespmem:$0x1EA80] =	vst v63  }
0x97: {  	_ =	swait.ge [sflag:s29], $0x2800  }
0x98: {  	[sflag:s29] =	ssyncset.done $0x0  }
0x99: {  	s19 =	rddreg [dreg:$0x13];
	[sflag:s29] =	ssyncadd.s32 $0xFFFFD800  }
0x9a: {  	[spmem:s19] =	stream.linear.scatter [tilespmem:s28], [sflag:$0x6], $0x2800, $0x38;
	[tilespmem:$0x1EA80] =	vst v63  }
0x9b: {  	_ =	swait.ge [sflag:s29], $0x2800  }
0x9c: {  	[sflag:s29] =	ssyncset.done $0x0  }
0x9d: {  	s20 =	rddreg [dreg:$0x14];
	[sflag:s29] =	ssyncadd.s32 $0xFFFFD800  }
0x9e: {  	[spmem:s20] =	stream.linear.scatter [tilespmem:s28], [sflag:$0x6], $0x2800, $0x38;
	[tilespmem:$0x1EA80] =	vst v63  }
0x9f: {  	_ =	swait.ge [sflag:s29], $0x2800  }
0xa0: {  	[sflag:s29] =	ssyncset.done $0x0  }
0xa1: {  	[sflag:s29] =	ssyncadd.s32 $0xFFFFD800  }
0xa2: {  	[spmem:s23] =	stream.linear.scatter [tilespmem:s28], [sflag:$0x6], $0x2800, $0x38;
	[tilespmem:$0x1EA80] =	vst v63  }
0xa3: {  	_ =	swait.ge [sflag:s29], $0x2800  }
0xa4: {  	[sflag:s29] =	ssyncset.done $0x0  }
0xa5: {  	[sflag:s29] =	ssyncadd.s32 $0xFFFFD800  }
0xa6: {  	[spmem:s24] =	stream.linear.scatter [tilespmem:s28], [sflag:$0x6], $0x2800, $0x38;
	[tilespmem:$0x1EA80] =	vst v63  }
0xa7: {  	_ =	swait.ge [sflag:s29], $0x2800  }
0xa8: {  	[sflag:s29] =	ssyncset.done $0x0  }
0xa9: {  	[sflag:s29] =	ssyncadd.s32 $0xFFFFD800  }
0xaa: {  	[spmem:s25] =	stream.linear.scatter [tilespmem:s28], [sflag:$0x6], $0x2800, $0x38;
	[tilespmem:$0x1EA80] =	vst v63  }
0xab: {  	_ =	swait.ge [sflag:s29], $0x2800  }
0xac: {  	[sflag:s29] =	ssyncset.done $0x0  }
0xad: {  	[sflag:s29] =	ssyncadd.s32 $0xFFFFD800  }
0xae: {  	[spmem:s26] =	stream.linear.scatter [tilespmem:s28], [sflag:$0x6], $0x2800, $0x38;
	[tilespmem:$0x1EA80] =	vst v63  }
0xaf: {  	_ =	swait.ge [sflag:s29], $0x2800  }
0xb0: {  	[sflag:s29] =	ssyncset.done $0x0  }
0xb1: {  	s21 =	rddreg [dreg:$0xe];
	[sflag:s29] =	ssyncadd.s32 $0xFFFFD800  }
0xb2: {  	[spmem:s21] =	stream.linear.scatter [tilespmem:s28], [sflag:$0x6], $0x400, $0x38;
	[tilespmem:$0x1EA80] =	vst v63  }
0xb3: {  	_ =	swait.ge [sflag:s29], $0x400  }
0xb4: {  	[sflag:s29] =	ssyncset.done $0x0  }
0xb5: {  	[sflag:s29] =	ssyncadd.s32 $0xFFFFFC00  }
0xb6: {  	[bflag:$0x0] =	sbarrier.arrive $0xFFFF  }
0xb7: {  	s16 =	simm.s32 $0x0;
	s22 =	rddreg [dreg:$0xf]  }
0xb8: {  	[tilespmem:s16], [sflag:$0x3] =	stream.linear.gather [hbm4b:s22+s16], $0x80, $0x38;
	[tilespmem:$0x1EA80] =	vst v63  }
0xb9: {  	s19 =	simm.s32 $0x100;
	s17 =	sadd.s32 $0x80, s22  }
0xba: {  	[tilespmem:s19], [sflag:$0x3] =	stream.linear.gather [hbm4b:s17+s16], $0x80, $0x38;
	[tilespmem:$0x1EA80] =	vst v63  }
.LBB2_6:
0xbb: {  	p1 =	seq.s32 s16, $0x3E  }
0xbc: {  	s17 =	sadd.s32 @!p1 $0x1, s16  }
0xbd: {  	s19 =	sshll.u32 @!p1 s17, $0x8  }
0xbe: {  	_ =	swait.ge [sflag:s31], $0x100;
	s17 =	sshll.u32 @!p1 s17, $0x7;
	s19 =	sand.u32 @!p1 $0x7800, s19  }
0xbf: {  	[sflag:s31] =	ssyncset.done $0x0;
	s20 =	sand.u32 @!p1 $0x380, s17;
	s19 =	sadd.s32 @!p1 s6, s19  }
0xc0: {  	s21 =	simm.s32 @!p1 $0x0;
	s17 =	sand.u32 $0x1, s16;
	s19 =	sor.u32 @!p1 s20, s19  }
0xc1: {  	p2 =	seq.s32 @!p1 s16, $0x0;
	s20 =	sshll.u32 @!p1 s17, $0x7;
	s19 =	sshrl.u32 @!p1 s19, $0x3  }
0xc2: {  	[sflag:s31] =	ssyncadd.s32 $0xFFFFFF00;
	s20 =	sxor.u32 @!p1 $0x80, s20;
	s19 =	sadd.s32 @!p1 s2, s19  }
0xc3: {  	[tilespmem:s20], [sflag:$0x3] =	stream.linear.gather @!p1 [hbm4b:s19+s21], $0x80, $0x38;
	[tilespmem:$0x1EA80] =	vst v63  }
0xc4: {  	p2 =	por p1, !p2;
	s19 =	sadd.s32 @!p1 $0x80, s19;
	s20 =	sor.u32 @!p1 $0x100, s20  }
0xc5: {  	[tilespmem:s20], [sflag:$0x3] =	stream.linear.gather @!p1 [hbm4b:s19+s21], $0x80, $0x38;
	[tilespmem:$0x1EA80] =	vst v63  }
0xc6: {  	_ =	swait.ge @p2 [sflag:s12], $0x2800  }
0xc7: {  	[sflag:s12] =	ssyncset.done @p2 $0x0  }
0xc8: {  	[sflag:s12] =	ssyncadd.s32 @p2 $0xFFFFD800  }
0xc9: {  	_ =	swait.ge @p2 [sflag:s13], $0x2800  }
0xca: {  	[sflag:s13] =	ssyncset.done @p2 $0x0  }
0xcb: {  	s17 =	sshll.u32 s17, $0x7;
	[sflag:s13] =	ssyncadd.s32 @p2 $0xFFFFD800  }
0xcc: {  	v8 =	vld [tilespmem:s17+$0x0];
	_ =	sdelay $0x4  }
0xcd: {  	v9 =	vshrl.u32 v8, $0x10;
	_ =	sdelay $0x1  }
0xce: {  	v8 =	vand.u32 $0xFFFF, v8  }
0xcf: {  	[tilespmem:$0x200] =	vst v8  }
0xd0: {  	[tilespmem:$0x280] =	vst v9  }
0xd1: {  	[tilespmem:v9+s0+$0x0] =	vst.idx.add.s32.msk $0xffff, v2  }
0xd2: {  	v8 =	vld [tilespmem:s17+$0x10];
	_ =	sdelay $0x4  }
0xd3: {  	v60 =	vshrl.u32 v8, $0x10;
	_ =	sdelay $0x1  }
0xd4: {  	v8 =	vand.u32 $0xFFFF, v8  }
0xd5: {  	[tilespmem:$0x210] =	vst v8  }
0xd6: {  	[tilespmem:$0x290] =	vst v60  }
0xd7: {  	[tilespmem:v60+s0+$0x0] =	vst.idx.add.s32.msk $0xffff, v2  }
0xd8: {  	v8 =	vld [tilespmem:s17+$0x20];
	_ =	sdelay $0x4  }
0xd9: {  	v61 =	vshrl.u32 v8, $0x10;
	_ =	sdelay $0x1  }
0xda: {  	v8 =	vand.u32 $0xFFFF, v8  }
0xdb: {  	[tilespmem:$0x220] =	vst v8  }
0xdc: {  	[tilespmem:$0x2A0] =	vst v61  }
0xdd: {  	[tilespmem:v61+s0+$0x0] =	vst.idx.add.s32.msk $0xffff, v2  }
0xde: {  	v8 =	vld [tilespmem:s17+$0x30];
	_ =	sdelay $0x4  }
0xdf: {  	v62 =	vshrl.u32 v8, $0x10;
	_ =	sdelay $0x1  }
0xe0: {  	v8 =	vand.u32 $0xFFFF, v8  }
0xe1: {  	[tilespmem:$0x230] =	vst v8  }
0xe2: {  	[tilespmem:$0x2B0] =	vst v62  }
0xe3: {  	[tilespmem:v62+s0+$0x0] =	vst.idx.add.s32.msk $0xffff, v2  }
0xe4: {  	v8 =	vld [tilespmem:s17+$0x40];
	_ =	sdelay $0x4  }
0xe5: {  	v63 =	vshrl.u32 v8, $0x10;
	_ =	sdelay $0x1  }
.Ltmp4:
0xe6: {  	v8 =	vand.u32 $0xFFFF, v8;
	(pc) =	sbr.rel @!p1 .LBB2_7-.Ltmp4, $4  }
0xe7: {  	[tilespmem:$0x240] =	vst v8  }
0xe8: {  	[tilespmem:$0x2C0] =	vst v63  }
0xe9: {  	[tilespmem:v63+s0+$0x0] =	vst.idx.add.s32.msk $0xffff, v2  }
0xea: {  	[tilespmem:s7], [sflag:$0x1] =	stream.indirect.gather [hbm4b:s1+s4], $0x80, s30, s4, $0xb8;
	[tilespmem:$0x1EA80] =	vst v63  }
0xeb: {  	[tilespmem:$0x380] =	vst v3  }
0xec: {  	[tilespmem:$0x390] =	vst v4  }
0xed: {  	[tilespmem:$0x3A0] =	vst v5  }
0xee: {  	[tilespmem:$0x3B0] =	vst v6;
	s17 =	simm.s32 $0x0  }
0xef: {  	[tilespmem:$0x3C0] =	vst v7;
	s21 =	simm.s32 $0x0;
	s20 =	simm.s32 $0x10;
	s19 =	simm.s32 $0x0  }
.LBB2_9:
0xf0: {  	p2 =	sne.s32 s20, $0x27F0;
	v8 =	vld [tilespmem:s21+$0x8000];
	_ =	sdelay $0x2  }
.Ltmp5:
0xf1: {  	(pc) =	sbr.rel @p2 .LBB2_9-.Ltmp5, $4  }
0xf2: {  	s21 =	sand.u32 $0xFE00, s17  }
0xf3: {  	s22 =	sand.u32 $0x70, s19;
	s19 =	smov.u32 s20;
	s21 =	sshrl.u32 s21, $0x2;
	v8 =	vcvt.s32.f32 v8  }
0xf4: {  	s17 =	sadd.s32 $0x40, s17;
	s22 =	sor.u32 s22, s21  }
0xf5: {  	s20 =	sadd.s32 $0x10, s20;
	s21 =	sshra.s32 s17, $0x2;
	[tilespmem:s22+$0x2C00] =	vst v8  }
0xf6: {  	v8 =	vld [tilespmem:s21+$0x8000];
	_ =	sdelay $0x2  }
.Ltmp6:
0xf7: {  	_ = 	snop;
	(pc) =	sbr.rel .LBB2_11-.Ltmp6, $4  }
0xf8: {  	s17 =	sand.u32 $0xFE00, s17  }
0xf9: {  	s19 =	sand.u32 $0x70, s19;
	s17 =	sshrl.u32 s17, $0x2;
	v8 =	vcvt.s32.f32 v8  }
0xfa: {  	s17 =	sor.u32 s19, s17  }
0xfb: {  	[tilespmem:s17+$0x2C00] =	vst v8  }
.LBB2_7:
0xfc: {  	v8 =	vld [tilespmem:s17+$0x50];
	_ =	sdelay $0x4  }
0xfd: {  	v9 =	vshrl.u32 v8, $0x10;
	_ =	sdelay $0x1  }
0xfe: {  	v8 =	vand.u32 $0xFFFF, v8  }
0xff: {  	[tilespmem:$0x300] =	vst v8  }
0x100: {  	[tilespmem:$0x380] =	vst v9  }
0x101: {  	[tilespmem:v9+s0+$0x0] =	vst.idx.add.s32.msk $0xffff, v2  }
0x102: {  	v8 =	vld [tilespmem:s17+$0x60];
	_ =	sdelay $0x4  }
0x103: {  	v60 =	vshrl.u32 v8, $0x10;
	_ =	sdelay $0x1  }
0x104: {  	v8 =	vand.u32 $0xFFFF, v8  }
0x105: {  	[tilespmem:$0x310] =	vst v8  }
0x106: {  	[tilespmem:$0x390] =	vst v60  }
0x107: {  	[tilespmem:v60+s0+$0x0] =	vst.idx.add.s32.msk $0xffff, v2  }
0x108: {  	v8 =	vld [tilespmem:s17+$0x70];
	_ =	sdelay $0x4  }
0x109: {  	v61 =	vshrl.u32 v8, $0x10;
	_ =	sdelay $0x1  }
0x10a: {  	v8 =	vand.u32 $0xFFFF, v8  }
0x10b: {  	[tilespmem:$0x320] =	vst v8  }
0x10c: {  	[tilespmem:$0x3A0] =	vst v61  }
0x10d: {  	[tilespmem:v61+s0+$0x0] =	vst.idx.add.s32.msk $0xffff, v2  }
0x10e: {  	v8 =	vld [tilespmem:s17+$0x100];
	_ =	sdelay $0x4  }
0x10f: {  	v62 =	vshrl.u32 v8, $0x10;
	_ =	sdelay $0x1  }
0x110: {  	v8 =	vand.u32 $0xFFFF, v8  }
0x111: {  	[tilespmem:$0x330] =	vst v8  }
0x112: {  	[tilespmem:$0x3B0] =	vst v62  }
0x113: {  	[tilespmem:v62+s0+$0x0] =	vst.idx.add.s32.msk $0xffff, v2  }
0x114: {  	v8 =	vld [tilespmem:s17+$0x110];
	_ =	sdelay $0x4  }
0x115: {  	v63 =	vshrl.u32 v8, $0x10;
	_ =	sdelay $0x1  }
0x116: {  	v8 =	vand.u32 $0xFFFF, v8  }
0x117: {  	[tilespmem:$0x340] =	vst v8  }
0x118: {  	[tilespmem:$0x3C0] =	vst v63  }
0x119: {  	[tilespmem:v63+s0+$0x0] =	vst.idx.add.s32.msk $0xffff, v2  }
0x11a: {  	[tilespmem:s11], [sflag:$0x2] =	stream.indirect.gather [hbm4b:s1+s4], $0x80, s15, s4, $0xb8;
	[tilespmem:$0x1EA80] =	vst v63  }
.LBB2_11:
.Ltmp7:
0x11b: {  	(pc) =	sbr.rel @p1 .LBB2_13-.Ltmp7, $4  }
0x11c: {  	_ =	swait.ge [sflag:s8], $0x2800  }
0x11d: {  	[sflag:s8] =	ssyncset.done $0x0  }
0x11e: {  	[sflag:s8] =	ssyncadd.s32 $0xFFFFD800  }
0x11f: {  	[spmem:s3] =	stream.indirect.scatter.add.f32 [tilespmem:s7], [sflag:$0x5], $0x80, s9, s4, $0xb8;
	[tilespmem:$0x1EA80] =	vst v63  }
.Ltmp8:
0x120: {  	(pc) =	sbr.rel .LBB2_6-.Ltmp8, $4  }
0x121: {  	_ =	swait.ge [sflag:s14], $0x2800  }
0x122: {  	[sflag:s14] =	ssyncset.done $0x0  }
0x123: {  	s16 =	sadd.s32 $0x1, s16;
	[sflag:s14] =	ssyncadd.s32 $0xFFFFD800  }
0x124: {  	[spmem:s3] =	stream.indirect.scatter.add.f32 [tilespmem:s11], [sflag:$0x4], $0x80, s10, s4, $0xb8;
	[tilespmem:$0x1EA80] =	vst v63  }
.LBB2_14:
0x125: {  	_ =	sfence.sel $0x180000  }
0x126: {  	[bflag:$0x0] =	sbarrier.arrive $0xFFFF  }
0x127: {  	_ =	strace $0x90000047  }
0x128: {  	s0 =	stileid.u32;
	[bflag:$0x2] =	sbarrier.arrive $0xFFFF  }
0x129: {  	p0 =	sne.s32 s0, $0x0;
	s0 =	rddreg [dreg:$0x4]  }
0x12a: {  	s0 =	sadd.s32 @!p0 $0x100000, s0  }
0x12b: {  	[sflag:s0] =	ssyncadd.tile.s32 @!p0 $0x1;
	_ =	shalt  }
.Lfunc_end2:
_tile_overlayer_lowered:
.L_overlay_start_2:
0x12c: {  	(tag) =	ssettag $0x2  }
0x12d: {  	s0 =	rddreg [dreg:$0x0];
	s2 =	stileid.u32  }
0x12e: {  	s1 =	rddreg [dreg:$0x1];
	p0 =	sne.s32 s2, $0x0  }
0x12f: {  	s3 =	rddreg [dreg:$0x2];
	[bflag:$0x3] =	sbarrier.arrive $0xFFFF;
	s2 =	simm.s32 @!p0 $0x1C06  }
0x130: {  	[timem:s3], [sflag:s2] =	dma.local @!p0 [hbm:s0], s1  }
0x131: {  	s0 =	simm.s32 @!p0 $0x6  }
0x132: {  	_ =	swait.ge @!p0 [sflag:s0], s1  }
0x133: {  	s1 =	ssub.s32 @!p0 $0x0, s1;
	[sflag:s0] =	ssyncset.done @!p0 $0x0  }
0x134: {  	[sflag:s0] =	ssyncadd.s32 @!p0 s1  }
0x135: {  	[bflag:$0x3] =	sbarrier.arrive $0xFFFF  }
0x136: {  	_ =	shalt  }

// kernel: kernel.9.cloned.1.call-start
scs
__scs_entry_jumppad:
0x0: {  	(pc) =	sbr.rel $0x88, $3  }
0x1: {  	(tag) =	ssettag $0x0;
	lr =	simm.s32 $0x1  }
0x2: {  	[smem:$0x3F98] =	sst lr;
	_ =	strace $0xD0000000  }
0x3: {  	_ = 	snop  }
0x4: {  	_ = 	snop  }
0x5: {  	_ = 	snop  }
0x6: {  	_ = 	snop  }
0x7: {  	_ = 	snop  }
__scs_overlays_trampoline_lowered:
0x8: {  	[smem:$0x3FA7] =	sst s0  }
0x9: {  	[smem:$0x3FA8] =	sst s1  }
0xa: {  	[smem:$0x3FA9] =	sst s2  }
0xb: {  	[smem:$0x3FAA] =	sst s3  }
0xc: {  	[smem:$0x3FAB] =	sst s4  }
0xd: {  	[smem:$0x3FAC] =	sst s5  }
0xe: {  	[smem:$0x3FAD] =	sst s6  }
0xf: {  	[smem:$0x3FAE] =	sst s7  }
0x10: {  	[smem:$0x3FAF] =	sst s8  }
0x11: {  	[smem:$0x3FB0] =	sst s9;
	s0 =	simm.s32 @!p0 $0x0  }
0x12: {  	s1 =	sld [smem:$0x3F96];
	s0 =	simm.s32 @p0 $0x1  }
0x13: {  	[smem:$0x3FB1] =	sst s0;
	s0 =	simm.s32 @!p1 $0x0  }
0x14: {  	s2 =	sld [smem:$0x3F95];
	s0 =	simm.s32 @p1 $0x1  }
0x15: {  	[smem:$0x3FB2] =	sst s0;
	s0 =	simm.s32 @!p2 $0x0  }
0x16: {  	s3 =	sld [smem:$0x3FDB];
	s0 =	simm.s32 @p2 $0x1  }
0x17: {  	s4 =	simm.s32 $0x1BF5;
	[smem:$0x3FB4] =	sst s0  }
0x18: {  	s0 =	sld [smem:$0x3F97];
	_ =	swait.ge [sflag:s4], $0x0  }
0x19: {  	s7 =	sld [smem:$0x3F98]  }
0x1a: {  	s8 =	sadd.s32 $0xFFFFE003, lr  }
0x1b: {  	s9 =	sadd.s32 $0xFFFFFEF7, lr;
	s5 =	simm.s32 $0xFFFFFFFF;
	p2 =	slt.u32 s8, $0xFFFFF086  }
0x1c: {  	p1 =	slt.u32 s9, $0xF7A;
	s5 =	simm.s32 @!p2 $0x0  }
0x1d: {  	s5 =	simm.s32 @p1 $0x1;
	p0 =	seq.s32 s7, s2  }
0x1e: {  	s7 =	smul.u32 @!p0 $0xF7A, s2;
	p2 =	seq.s32 @!p0 s5, $0x0  }
0x1f: {  	s9 =	smul.u32 $0xF7A, s1;
	s8 =	simm.s32 @!p0 $0x1BF5;
	p2 =	por !p2, p0  }
0x20: {  	[sflag:s8] =	ssyncset.s32 @!p0 $0xFFFFF086;
	s6 =	sadd.s32 @!p0 s3, s7;
	s7 =	simm.s32 @!p0 $0x108  }
0x21: {  	s3 =	sadd.s32 s3, s9;
	s6 =	sadd.s32 @!p0 $0x88, s6;
	s7 =	simm.s32 @p2 $0x1082  }
0x22: {  	[simem:s7], [sflag:s8] =	dma.local @!p0 [hbm:s6], $0xF7A  }
0x23: {  	s9 =	sor.u32 $0xD0000000, s2;
	s6 =	simm.s32 $0x108;
	_ =	swait.ge @!p0 [sflag:s8], $0x0  }
0x24: {  	s3 =	sadd.s32 $0x88, s3;
	s6 =	simm.s32 @!p1 $0x1082;
	[sflag:s4] =	ssyncset.s32 $0xFFFFF086  }
0x25: {  	[simem:s6], [sflag:s4] =	dma.local [hbm:s3], $0xF7A  }
0x26: {  	[smem:$0x3F98] =	sst s1;
	(tag) =	ssettag s2;
	_ =	strace s9  }
0x27: {  	s1 =	sld [smem:$0x3FA8]  }
0x28: {  	s2 =	sld [smem:$0x3FA9]  }
0x29: {  	s4 =	sld [smem:$0x3FAB]  }
0x2a: {  	p0 =	seq.s32 s5, $0x0;
	s5 =	sld [smem:$0x3FAC]  }
0x2b: {  	s6 =	sld [smem:$0x3FAD]  }
0x2c: {  	s7 =	sld [smem:$0x3FAE]  }
0x2d: {  	s3 =	simm.s32 $0x108;
	s8 =	sld [smem:$0x3FAF]  }
0x2e: {  	s3 =	simm.s32 @!p0 $0x1082;
	s9 =	sld [smem:$0x3FB0]  }
0x2f: {  	lr =	sadd.s32 s0, s3;
	s0 =	sld [smem:$0x3FA7]  }
0x30: {  	s3 =	sld [smem:$0x3FAA]  }
0x31: {  	[smem:$0x3FB3] =	sst s10  }
0x32: {  	s10 =	sld [smem:$0x3FB1];
	_ =	sdelay $0x3  }
0x33: {  	p0 =	seq.s32 s10, $0x1;
	s10 =	sld [smem:$0x3FB3];
	_ =	sdelay $0x3  }
0x34: {  	[smem:$0x3FB3] =	sst s10  }
0x35: {  	s10 =	sld [smem:$0x3FB2];
	_ =	sdelay $0x3  }
0x36: {  	p1 =	seq.s32 s10, $0x1;
	s10 =	sld [smem:$0x3FB3];
	_ =	sdelay $0x3  }
0x37: {  	[smem:$0x3FB3] =	sst s10  }
0x38: {  	s10 =	sld [smem:$0x3FB4]  }
0x39: {  	_ = 	snop;
	(pc) =	sbr.ind lr, $3  }
0x3a: {  	_ = 	snop  }
0x3b: {  	_ = 	snop  }
0x3c: {  	p2 =	seq.s32 s10, $0x1;
	s10 =	sld [smem:$0x3FB3]  }
0x3d: {  	_ =	shalt  }
0x3e: {  	_ =	shalt  }
0x3f: {  	_ =	shalt  }
0x40: {  	_ =	shalt  }
0x41: {  	_ =	shalt  }
0x42: {  	_ =	shalt  }
0x43: {  	_ =	shalt  }
0x44: {  	_ =	shalt  }
0x45: {  	_ =	shalt  }
0x46: {  	_ =	shalt  }
0x47: {  	_ =	shalt  }
0x48: {  	_ =	shalt  }
0x49: {  	_ =	shalt  }
0x4a: {  	_ =	shalt  }
0x4b: {  	_ =	shalt  }
0x4c: {  	_ =	shalt  }
0x4d: {  	_ =	shalt  }
0x4e: {  	_ =	shalt  }
0x4f: {  	_ =	shalt  }
0x50: {  	_ =	shalt  }
0x51: {  	_ =	shalt  }
0x52: {  	_ =	shalt  }
0x53: {  	_ =	shalt  }
0x54: {  	_ =	shalt  }
0x55: {  	_ =	shalt  }
0x56: {  	_ =	shalt  }
0x57: {  	_ =	shalt  }
0x58: {  	_ =	shalt  }
0x59: {  	_ =	shalt  }
0x5a: {  	_ =	shalt  }
0x5b: {  	_ =	shalt  }
0x5c: {  	_ =	shalt  }
0x5d: {  	_ =	shalt  }
0x5e: {  	_ =	shalt  }
0x5f: {  	_ =	shalt  }
0x60: {  	_ =	shalt  }
0x61: {  	_ =	shalt  }
0x62: {  	_ =	shalt  }
0x63: {  	_ =	shalt  }
0x64: {  	_ =	shalt  }
0x65: {  	_ =	shalt  }
0x66: {  	_ =	shalt  }
0x67: {  	_ =	shalt  }
0x68: {  	_ =	shalt  }
0x69: {  	_ =	shalt  }
0x6a: {  	_ =	shalt  }
0x6b: {  	_ =	shalt  }
0x6c: {  	_ =	shalt  }
0x6d: {  	_ =	shalt  }
0x6e: {  	_ =	shalt  }
0x6f: {  	_ =	shalt  }
0x70: {  	_ =	shalt  }
0x71: {  	_ =	shalt  }
0x72: {  	_ =	shalt  }
0x73: {  	_ =	shalt  }
0x74: {  	_ =	shalt  }
0x75: {  	_ =	shalt  }
0x76: {  	_ =	shalt  }
0x77: {  	_ =	shalt  }
0x78: {  	_ =	shalt  }
0x79: {  	_ =	shalt  }
0x7a: {  	_ =	shalt  }
0x7b: {  	_ =	shalt  }
0x7c: {  	_ =	shalt  }
0x7d: {  	_ =	shalt  }
0x7e: {  	_ =	shalt  }
0x7f: {  	_ =	shalt  }
0x80: {  	_ =	shalt  }
0x81: {  	_ =	shalt  }
0x82: {  	_ =	shalt  }
0x83: {  	_ =	shalt  }
0x84: {  	_ =	shalt  }
0x85: {  	_ =	shalt  }
0x86: {  	_ =	shalt  }
0x87: {  	_ =	shalt  }
.Lfunc_end0:
.L_simem_size_0:
called_computation.1_lowered:
.L_overlay_start_0:
0x88: {  	s2 =	sld [smem:$0x3FD9]  }
0x89: {  	s3 =	sld [smem:$0x3FFE];
	_ =	sdelay $0x1  }
0x8a: {  	s1 =	srdreg.scid  }
0x8b: {  	s0 =	sand.u32 $0x1, s1  }
0x8c: {  	s17 =	sshll.u32 s0, $0xA;
	s2 =	sadd.s32 s3, s2  }
0x8d: {  	s2 =	sadd.s32 s2, s17  }
0x8e: {  	[smem:$0x3FBF] =	sst s2  }
0x8f: {  	_ = 	snop  }
0x90: {  	s2 =	sld [smem:$0x3FD0];
	(tm) =	ssettm $0x1  }
0x91: {  	s18 =	sld [smem:$0x3FFB];
	_ =	sdelay $0x3  }
0x92: {  	_ =	strace s18  }
0x93: {  	s3 =	sld [smem:$0x3FFC];
	_ =	sdelay $0x3  }
0x94: {  	_ =	strace s3  }
0x95: {  	s3 =	sld [smem:$0x3FFD];
	_ =	sdelay $0x3  }
0x96: {  	_ =	strace s3  }
0x97: {  	_ =	strace $0x8FFFFFFF  }
0x98: {  	s19 =	sld [smem:$0x3FDB];
	_ =	sdelay $0x1  }
0x99: {  	s4 =	simm.s32 $_scs_section_size  }
0x9a: {  	s5 =	simm.s32 $_size__tile_overlayer_lowered;
	s6 =	simm.s32 $_tile_overlayer_lowered  }
0x9b: {  	s22 =	simm.s32 $0x1BFF;
	s21 =	sshll.u32 s6, $0x1;
	s3 =	sadd.s32 s4, s19  }
0x9c: {  	s7 =	simm.s32 $0x0;
	s20 =	sshll.u32 s5, $0x1;
	s5 =	sadd.s32 s21, s3  }
0x9d: {  	[timem:s7], [sflag:s22] =	dma.local [hbm:s5], s20  }
0x9e: {  	_ =	swait.ge [sflag:s22], s20  }
0x9f: {  	s4 =	ssub.s32 $0x0, s20;
	[sflag:s22] =	ssyncset.done $0x0  }
0xa0: {  	[sflag:s22] =	ssyncadd.s32 s4;
	_ =	sdelay $0x1  }
0xa1: {  	s23 =	simm.s32 $0x1B8B  }
0xa2: {  	_ =	swait.ge [sflag:s23], $0x1  }
0xa3: {  	[sflag:s23] =	ssyncset.done $0x0  }
0xa4: {  	s25 =	simm.s32 $0x1B8E;
	s24 =	sld [smem:$0x3FFE];
	[sflag:s23] =	ssyncadd.s32 $0xFFFFFFFF  }
0xa5: {  	s26 =	simm.s32 $execute0_lowered;
	[smem:$0x3FD2] =	sst s25  }
0xa6: {  	s5 =	sshll.u32 s26, $0x1;
	_ =	strace $0x80000049;
	[dreg:$0x1] =	wrdreg $0xFFFFFFFF  }
0xa7: {  	s28 =	simm.s32 $_size_execute0_lowered;
	s3 =	sadd.s32 s3, s5;
	[dreg:$0x0] =	wrdreg $0x0  }
0xa8: {  	s5 =	sshll.u32 s28, $0x1;
	[dreg:$0x2] =	wrdreg s3  }
0xa9: {  	[dreg:$0x3] =	wrdreg s5  }
0xaa: {  	[dreg:$0x4] =	wrdreg $0xC0  }
0xab: {  	_ =	task [dreg:s7], $0x5FFFF  }
0xac: {  	[dreg:$0x1] =	wrdreg $0xFFFFFFFF  }
0xad: {  	[dreg:$0x0] =	wrdreg $0x60  }
0xae: {  	[dreg:$0x2] =	wrdreg s2  }
0xaf: {  	[dreg:$0x3] =	wrdreg s24  }
0xb0: {  	[dreg:$0x4] =	wrdreg $0xA8000  }
0xb1: {  	[dreg:$0x5] =	wrdreg $0x9  }
0xb2: {  	_ =	task.clear_ibuf [dreg:s7], $0x6FFFF;
	_ =	strace $0x90000049  }
0xb3: {  	s29 =	simm.s32 $0x9;
	_ =	strace $0x8000004B  }
0xb4: {  	_ =	swait.ge [sflag:s29], $0x1  }
0xb5: {  	[sflag:s29] =	ssyncadd.s32 $0xFFFFFFFF  }
0xb6: {  	_ =	strace $0x9000004B  }
0xb7: {  	_ =	sfence  }
0xb8: {  	s30 =	sld [smem:$0x0];
	_ =	sdelay $0x2  }
0xb9: {  	s31 =	sshll.u32 s1, $0xD;
	s1 =	sshrl.u32 s1, $0x2  }
0xba: {  	s3 =	sand.u32 $0x4000, s31;
	s1 =	sadd.s32 s1, s30  }
0xbb: {  	s0 =	sor.u32 s3, s0;
	s1 =	sshll.u32 s1, $0x11  }
0xbc: {  	s0 =	sor.u32 s1, s0  }
0xbd: {  	s0 =	sadd.s32 $0x8F2B, s0  }
0xbe: {  	[sflag:s0] =	ssyncadd.remote.s32 $0x1  }
0xbf: {  	_ =	sfence.sel $0xFFFF  }
0xc0: {  	[dreg:$0x0] =	wrdreg $0xFFFFFFFF;
	(pc) =	sbr.abs _section_cstart, $3  }
0xc1: {  	[dreg:$0x1] =	wrdreg $0xFFFFFFFF  }
0xc2: {  	_ =	task.clear_ibuf [dreg:s7], $0x2FFFF;
	_ =	strace $0x9FFFFFFF  }
0xc3: {  	(tm) =	ssettm $0x7FFFFFFF  }
tec
execute0_lowered:
.L_overlay_start_1:
0x0: {  	(tag) =	ssettag $0x1  }
0x1: {  	s1 =	rddreg [dreg:$0x0]  }
0x2: {  	s0 =	rddreg [dreg:$0x1]  }
0x3: {  	s2 =	rddreg [dreg:$0x2];
	s4 =	simm.s32 $0x0  }
0x4: {  	s3 =	srdreg.scid;
	s19 =	stileid.u32;
	s28 =	simm.s32 $0x5400  }
0x5: {  	s29 =	simm.s32 $0x6;
	s31 =	simm.s32 $0x3;
	s30 =	simm.s32 $0x200  }
0x6: {  	[smem:$0x7FF] =	sst s4;
	s6 =	sadd.s32 $0x1800, s0;
	s3 =	sand.u32 $0x1, s3  }
0x7: {  	s7 =	sshll.u32 s19, $0xA;
	s10 =	sshll.u32 s19, $0xF;
	s12 =	smul.u32 $0x14000, s19  }
0x8: {  	p0 =	sgt.u32 s19, $0x9;
	s5 =	ssub.s32 $0x2, s3;
	s8 =	smul.u32 $0x142800, s3  }
0x9: {  	s7 =	sor.u32 $0x140000, s7;
	s3 =	sshll.u32 s3, $0xE;
	s9 =	sshrl.u32 s5, $0x1  }
0xa: {  	s13 =	sadd.s32 $0xA000, s12;
	s14 =	sadd.s32 $0xC800, s12;
	s16 =	sadd.s32 $0xF000, s12  }
0xb: {  	s11 =	sadd.s32 s8, s7;
	s9 =	ssub.s32 s5, s9;
	s5 =	sor.u32 s3, s10  }
0xc: {  	s10 =	sadd.s32 $0x5000, s12;
	s15 =	sadd.s32 s8, s12;
	s25 =	sadd.s32 s8, s14  }
0xd: {  	s26 =	sadd.s32 s8, s16;
	s7 =	sadd.s32 s7, s2;
	s17 =	sshrl.u32 s11, $0x3  }
0xe: {  	s11 =	sadd.s32 $0x7800, s12;
	s15 =	sshrl.u32 s15, $0x3;
	s20 =	sadd.s32 s8, s10  }
0xf: {  	s3 =	sadd.s32 s6, s17;
	s15 =	sadd.s32 s6, s15;
	s21 =	sadd.s32 s8, s11  }
0x10: {  	[dreg:$0x4] =	wrdreg s3;
	s3 =	sor.u32 $0x2800, s12;
	s12 =	sadd.s32 $0x11800, s12  }
0x11: {  	[dreg:$0x5] =	wrdreg s15;
	s15 =	sshrl.u32 s20, $0x3;
	s22 =	sshrl.u32 s21, $0x3  }
0x12: {  	s20 =	smul.u32 $0x50000, s19;
	s17 =	sadd.s32 s8, s3;
	s15 =	sadd.s32 s6, s15  }
0x13: {  	s21 =	sshrl.u32 s5, $0x3;
	s17 =	sshrl.u32 s17, $0x3;
	[dreg:$0x7] =	wrdreg s15  }
0x14: {  	s15 =	sadd.s32 s6, s22;
	s22 =	sshrl.u32 s20, $0x2;
	s18 =	sadd.s32 s6, s17  }
0x15: {  	[dreg:$0x8] =	wrdreg s15;
	s15 =	sshrl.u32 s25, $0x3;
	s25 =	sadd.s32 s10, s2  }
0x16: {  	s10 =	simm.s32 $0x2C00;
	[dreg:$0x6] =	wrdreg s18;
	s18 =	sadd.s32 s8, s13  }
0x17: {  	s8 =	sadd.s32 s8, s12;
	s15 =	sadd.s32 s6, s15;
	s23 =	sshrl.u32 s18, $0x3  }
0x18: {  	[dreg:$0xa] =	wrdreg s15;
	s18 =	sshrl.u32 s26, $0x3;
	s24 =	sadd.s32 s6, s23  }
0x19: {  	s8 =	sshrl.u32 s8, $0x3;
	s15 =	sadd.s32 s6, s18;
	[dreg:$0x9] =	wrdreg s24  }
0x1a: {  	s26 =	sadd.s32 s11, s2;
	s6 =	sadd.s32 s6, s8;
	[dreg:$0xb] =	wrdreg s15  }
0x1b: {  	s11 =	simm.s32 $0x4;
	s23 =	smax.u32 s9, $0x1;
	[dreg:$0xc] =	wrdreg s6  }
0x1c: {  	s8 =	simm.s32 $0x280;
	_ =	strace $0x8000004A;
	[dreg:$0xd] =	wrdreg s7  }
0x1d: {  	s9 =	simm.s32 $0x380;
	s24 =	sadd.s32 s3, s2;
	[dreg:$0xf] =	wrdreg s23  }
0x1e: {  	s18 =	simm.s32 $0x0;
	s15 =	sadd.s32 $0x52200, s0;
	[dreg:$0x11] =	wrdreg s24  }
0x1f: {  	s3 =	simm.s32 $0x50;
	s6 =	simm.s32 $0x400;
	[dreg:$0x12] =	wrdreg s25  }
.Ltmp0:
0x20: {  	s0 =	sadd.s32 s15, s21;
	[dreg:$0x13] =	wrdreg s26;
	(pc) =	sbr.rel .LBB2_1-.Ltmp0, $4  }
0x21: {  	s23 =	sadd.s32 s13, s2;
	s24 =	sadd.s32 s14, s2;
	s25 =	sadd.s32 s16, s2  }
0x22: {  	v0 =	vimm.f32 $0.0e+00;
	v1 =	vimm.s32 $0x0;
	v7 =	vlaneseq.u32;
	s26 =	sadd.s32 s12, s2;
	s7 =	simm.s32 $0x1;
	s12 =	simm.s32 $0x5  }
0x23: {  	v2 =	vimm.s32 $0x1;
	v3 =	vor.u32 $0x2800, v7;
	v4 =	vor.u32 $0x2810, v7;
	s13 =	simm.s32 $0x2;
	[dreg:$0xe] =	wrdreg s0;
	s0 =	sadd.s32 s22, s2  }
0x24: {  	v5 =	vor.u32 $0x2820, v7;
	v6 =	vor.u32 $0x2830, v7;
	v7 =	vor.u32 $0x2840, v7;
	s14 =	simm.s32 $0x300;
	[dreg:$0x10] =	wrdreg s0;
	s0 =	simm.s32 $0x8000  }
.LBB2_13:
0x25: {  	[spmem:s2] =	stream.indirect.scatter.add.f32 [tilespmem:s10], [sflag:$0x4], $0x80, s9, s3, $0xb8;
	[tilespmem:$0x1EA80] =	vst v63  }
0x26: {  	_ =	swait.ge [sflag:s11], $0x2800  }
0x27: {  	[sflag:s11] =	ssyncset.done $0x0  }
0x28: {  	[sflag:s11] =	ssyncadd.s32 $0xFFFFD800  }
0x29: {  	_ =	swait.ge [sflag:s12], $0x2800  }
0x2a: {  	[sflag:s12] =	ssyncset.done $0x0  }
0x2b: {  	[sflag:s12] =	ssyncadd.s32 $0xFFFFD800  }
0x2c: {  	[bflag:$0x0] =	sbarrier.arrive $0xFFFF  }
0x2d: {  	s16 =	rddreg [dreg:$0x10]  }
0x2e: {  	[tilespmem:s28], [sflag:$0x6] =	stream.linear.gather [spmem:s16], $0x2800, $0x38;
	[tilespmem:$0x1EA80] =	vst v63  }
0x2f: {  	_ =	swait.ge [sflag:s29], $0x2800  }
0x30: {  	[sflag:s29] =	ssyncset.done $0x0  }
0x31: {  	s21 =	rddreg [dreg:$0x5];
	[sflag:s29] =	ssyncadd.s32 $0xFFFFD800  }
0x32: {  	[hbm4b:s21+s4] =	stream.linear.scatter [tilespmem:s28], [sflag:$0x6], $0x2800, $0x38;
	[tilespmem:$0x1EA80] =	vst v63  }
0x33: {  	_ =	swait.ge [sflag:s29], $0x2800  }
0x34: {  	[sflag:s29] =	ssyncset.done $0x0  }
0x35: {  	s22 =	rddreg [dreg:$0x11];
	[sflag:s29] =	ssyncadd.s32 $0xFFFFD800  }
0x36: {  	[tilespmem:s28], [sflag:$0x6] =	stream.linear.gather [spmem:s22], $0x2800, $0x38;
	[tilespmem:$0x1EA80] =	vst v63  }
0x37: {  	_ =	swait.ge [sflag:s29], $0x2800  }
0x38: {  	[sflag:s29] =	ssyncset.done $0x0  }
0x39: {  	s17 =	rddreg [dreg:$0x6];
	[sflag:s29] =	ssyncadd.s32 $0xFFFFD800  }
0x3a: {  	[hbm4b:s17+s4] =	stream.linear.scatter [tilespmem:s28], [sflag:$0x6], $0x2800, $0x38;
	[tilespmem:$0x1EA80] =	vst v63  }
0x3b: {  	_ =	swait.ge [sflag:s29], $0x2800  }
0x3c: {  	[sflag:s29] =	ssyncset.done $0x0  }
0x3d: {  	s19 =	rddreg [dreg:$0x12];
	[sflag:s29] =	ssyncadd.s32 $0xFFFFD800  }
0x3e: {  	[tilespmem:s28], [sflag:$0x6] =	stream.linear.gather [spmem:s19], $0x2800, $0x38;
	[tilespmem:$0x1EA80] =	vst v63  }
0x3f: {  	_ =	swait.ge [sflag:s29], $0x2800  }
0x40: {  	[sflag:s29] =	ssyncset.done $0x0  }
0x41: {  	s20 =	rddreg [dreg:$0x7];
	[sflag:s29] =	ssyncadd.s32 $0xFFFFD800  }
0x42: {  	[hbm4b:s20+s4] =	stream.linear.scatter [tilespmem:s28], [sflag:$0x6], $0x2800, $0x38;
	[tilespmem:$0x1EA80] =	vst v63  }
0x43: {  	_ =	swait.ge [sflag:s29], $0x2800  }
0x44: {  	[sflag:s29] =	ssyncset.done $0x0  }
0x45: {  	s21 =	rddreg [dreg:$0x13];
	[sflag:s29] =	ssyncadd.s32 $0xFFFFD800  }
0x46: {  	[tilespmem:s28], [sflag:$0x6] =	stream.linear.gather [spmem:s21], $0x2800, $0x38;
	[tilespmem:$0x1EA80] =	vst v63  }
0x47: {  	_ =	swait.ge [sflag:s29], $0x2800  }
0x48: {  	[sflag:s29] =	ssyncset.done $0x0  }
0x49: {  	s22 =	rddreg [dreg:$0x8];
	[sflag:s29] =	ssyncadd.s32 $0xFFFFD800  }
0x4a: {  	[hbm4b:s22+s4] =	stream.linear.scatter [tilespmem:s28], [sflag:$0x6], $0x2800, $0x38;
	[tilespmem:$0x1EA80] =	vst v63  }
0x4b: {  	_ =	swait.ge [sflag:s29], $0x2800  }
0x4c: {  	[sflag:s29] =	ssyncset.done $0x0  }
0x4d: {  	[sflag:s29] =	ssyncadd.s32 $0xFFFFD800  }
0x4e: {  	[tilespmem:s28], [sflag:$0x6] =	stream.linear.gather [spmem:s23], $0x2800, $0x38;
	[tilespmem:$0x1EA80] =	vst v63  }
0x4f: {  	_ =	swait.ge [sflag:s29], $0x2800  }
0x50: {  	[sflag:s29] =	ssyncset.done $0x0  }
0x51: {  	s17 =	rddreg [dreg:$0x9];
	[sflag:s29] =	ssyncadd.s32 $0xFFFFD800  }
0x52: {  	[hbm4b:s17+s4] =	stream.linear.scatter [tilespmem:s28], [sflag:$0x6], $0x2800, $0x38;
	[tilespmem:$0x1EA80] =	vst v63  }
0x53: {  	_ =	swait.ge [sflag:s29], $0x2800  }
0x54: {  	[sflag:s29] =	ssyncset.done $0x0  }
0x55: {  	[sflag:s29] =	ssyncadd.s32 $0xFFFFD800  }
0x56: {  	[tilespmem:s28], [sflag:$0x6] =	stream.linear.gather [spmem:s24], $0x2800, $0x38;
	[tilespmem:$0x1EA80] =	vst v63  }
0x57: {  	_ =	swait.ge [sflag:s29], $0x2800  }
0x58: {  	[sflag:s29] =	ssyncset.done $0x0  }
0x59: {  	s19 =	rddreg [dreg:$0xa];
	[sflag:s29] =	ssyncadd.s32 $0xFFFFD800  }
0x5a: {  	[hbm4b:s19+s4] =	stream.linear.scatter [tilespmem:s28], [sflag:$0x6], $0x2800, $0x38;
	[tilespmem:$0x1EA80] =	vst v63  }
0x5b: {  	_ =	swait.ge [sflag:s29], $0x2800  }
0x5c: {  	[sflag:s29] =	ssyncset.done $0x0  }
0x5d: {  	[sflag:s29] =	ssyncadd.s32 $0xFFFFD800  }
0x5e: {  	[tilespmem:s28], [sflag:$0x6] =	stream.linear.gather [spmem:s25], $0x2800, $0x38;
	[tilespmem:$0x1EA80] =	vst v63  }
0x5f: {  	_ =	swait.ge [sflag:s29], $0x2800  }
0x60: {  	[sflag:s29] =	ssyncset.done $0x0  }
0x61: {  	s20 =	rddreg [dreg:$0xb];
	[sflag:s29] =	ssyncadd.s32 $0xFFFFD800  }
0x62: {  	[hbm4b:s20+s4] =	stream.linear.scatter [tilespmem:s28], [sflag:$0x6], $0x2800, $0x38;
	[tilespmem:$0x1EA80] =	vst v63  }
0x63: {  	_ =	swait.ge [sflag:s29], $0x2800  }
0x64: {  	[sflag:s29] =	ssyncset.done $0x0  }
0x65: {  	[sflag:s29] =	ssyncadd.s32 $0xFFFFD800  }
0x66: {  	[tilespmem:s28], [sflag:$0x6] =	stream.linear.gather [spmem:s26], $0x2800, $0x38;
	[tilespmem:$0x1EA80] =	vst v63  }
0x67: {  	_ =	swait.ge [sflag:s29], $0x2800  }
0x68: {  	[sflag:s29] =	ssyncset.done $0x0  }
0x69: {  	s21 =	rddreg [dreg:$0xc];
	[sflag:s29] =	ssyncadd.s32 $0xFFFFD800  }
0x6a: {  	[hbm4b:s21+s4] =	stream.linear.scatter [tilespmem:s28], [sflag:$0x6], $0x2800, $0x38;
	[tilespmem:$0x1EA80] =	vst v63  }
0x6b: {  	_ =	swait.ge [sflag:s29], $0x2800  }
0x6c: {  	[sflag:s29] =	ssyncset.done $0x0  }
0x6d: {  	s16 =	simm.s32 @!p0 $0x7C00;
	s17 =	rddreg [dreg:$0xd];
	[sflag:s29] =	ssyncadd.s32 $0xFFFFD800  }
0x6e: {  	[tilespmem:s16], [sflag:$0x6] =	stream.linear.gather @!p0 [spmem:s17], $0x400, $0x38;
	[tilespmem:$0x1EA80] =	vst v63  }
0x6f: {  	s17 =	simm.s32 @!p0 $0x6  }
0x70: {  	_ =	swait.ge @!p0 [sflag:s17], $0x400  }
0x71: {  	[sflag:s17] =	ssyncset.done @!p0 $0x0  }
0x72: {  	s19 =	simm.s32 @!p0 $0x0;
	s20 =	rddreg [dreg:$0x4];
	[sflag:s17] =	ssyncadd.s32 @!p0 $0xFFFFFC00  }
0x73: {  	[hbm4b:s20+s19] =	stream.linear.scatter @!p0 [tilespmem:s16], [sflag:$0x6], $0x400, $0x38;
	[tilespmem:$0x1EA80] =	vst v63  }
0x74: {  	_ =	swait.ge @!p0 [sflag:s17], $0x400  }
0x75: {  	s18 =	sadd.s32 $0x1, s18;
	s22 =	rddreg [dreg:$0xf]  }
0x76: {  	p1 =	sne.s32 s18, s22  }
.Ltmp1:
0x77: {  	_ = 	snop;
	(pc) =	sbr.rel @!p1 .LBB2_14-.Ltmp1, $3  }
0x78: {  	_ =	sdelay $0x1  }
0x79: {  	[sflag:s17] =	ssyncset.done @!p0 $0x0  }
0x7a: {  	[sflag:s17] =	ssyncadd.s32 @!p0 $0xFFFFFC00  }
.LBB2_1:
0x7b: {  	s16 =	simm.s32 $0x0;
	s17 =	simm.s32 $0x200  }
.LBB2_2:
0x7c: {  	p1 =	sne.s32 s17, $0x9E00;
	[tilespmem:s16+$0x5470] =	vst v0  }
0x7d: {  	[tilespmem:s16+$0x5400] =	vst v0  }
0x7e: {  	[tilespmem:s16+$0x5410] =	vst v0  }
.Ltmp2:
0x7f: {  	[tilespmem:s16+$0x5420] =	vst v0;
	(pc) =	sbr.rel @p1 .LBB2_2-.Ltmp2, $4  }
0x80: {  	[tilespmem:s16+$0x5430] =	vst v0  }
0x81: {  	[tilespmem:s16+$0x5440] =	vst v0  }
0x82: {  	[tilespmem:s16+$0x5450] =	vst v0  }
0x83: {  	[tilespmem:s16+$0x5460] =	vst v0;
	s16 =	sshra.s32 s17, $0x2;
	s17 =	sadd.s32 $0x200, s17  }
0x84: {  	[tilespmem:s16+$0x5470] =	vst v0  }
0x85: {  	[tilespmem:s16+$0x5400] =	vst v0  }
0x86: {  	[tilespmem:s16+$0x5410] =	vst v0  }
0x87: {  	[tilespmem:s16+$0x5420] =	vst v0  }
0x88: {  	[tilespmem:s16+$0x5430] =	vst v0  }
0x89: {  	[tilespmem:s16+$0x5440] =	vst v0  }
0x8a: {  	[tilespmem:s16+$0x5450] =	vst v0  }
0x8b: {  	[tilespmem:s16+$0x5460] =	vst v0;
	s16 =	simm.s32 $0x40;
	s17 =	simm.s32 $0x0  }
.LBB2_4:
0x8c: {  	p1 =	sne.s32 s16, $0x9FC0;
	[tilespmem:s17+$0x8000] =	vst v1;
	s17 =	smov.u32 s16;
	s16 =	sadd.s32 $0x40, s16  }
.Ltmp3:
0x8d: {  	(pc) =	sbr.rel @p1 .LBB2_4-.Ltmp3, $2  }
0x8e: {  	_ =	sdelay $0x2  }
0x8f: {  	s17 =	sshra.s32 s17, $0x2  }
0x90: {  	[tilespmem:s17+$0x8000] =	vst v1;
	s16 =	rddreg [dreg:$0x10]  }
0x91: {  	[spmem:s16] =	stream.linear.scatter [tilespmem:s28], [sflag:$0x6], $0x2800, $0x38;
	[tilespmem:$0x1EA80] =	vst v63  }
0x92: {  	_ =	swait.ge [sflag:s29], $0x2800  }
0x93: {  	[sflag:s29] =	ssyncset.done $0x0  }
0x94: {  	s17 =	rddreg [dreg:$0x11];
	[sflag:s29] =	ssyncadd.s32 $0xFFFFD800  }
0x95: {  	[spmem:s17] =	stream.linear.scatter [tilespmem:s28], [sflag:$0x6], $0x2800, $0x38;
	[tilespmem:$0x1EA80] =	vst v63  }
0x96: {  	_ =	swait.ge [sflag:s29], $0x2800  }
0x97: {  	[sflag:s29] =	ssyncset.done $0x0  }
0x98: {  	s19 =	rddreg [dreg:$0x12];
	[sflag:s29] =	ssyncadd.s32 $0xFFFFD800  }
0x99: {  	[spmem:s19] =	stream.linear.scatter [tilespmem:s28], [sflag:$0x6], $0x2800, $0x38;
	[tilespmem:$0x1EA80] =	vst v63  }
0x9a: {  	_ =	swait.ge [sflag:s29], $0x2800  }
0x9b: {  	[sflag:s29] =	ssyncset.done $0x0  }
0x9c: {  	s20 =	rddreg [dreg:$0x13];
	[sflag:s29] =	ssyncadd.s32 $0xFFFFD800  }
0x9d: {  	[spmem:s20] =	stream.linear.scatter [tilespmem:s28], [sflag:$0x6], $0x2800, $0x38;
	[tilespmem:$0x1EA80] =	vst v63  }
0x9e: {  	_ =	swait.ge [sflag:s29], $0x2800  }
0x9f: {  	[sflag:s29] =	ssyncset.done $0x0  }
0xa0: {  	[sflag:s29] =	ssyncadd.s32 $0xFFFFD800  }
0xa1: {  	[spmem:s23] =	stream.linear.scatter [tilespmem:s28], [sflag:$0x6], $0x2800, $0x38;
	[tilespmem:$0x1EA80] =	vst v63  }
0xa2: {  	_ =	swait.ge [sflag:s29], $0x2800  }
0xa3: {  	[sflag:s29] =	ssyncset.done $0x0  }
0xa4: {  	[sflag:s29] =	ssyncadd.s32 $0xFFFFD800  }
0xa5: {  	[spmem:s24] =	stream.linear.scatter [tilespmem:s28], [sflag:$0x6], $0x2800, $0x38;
	[tilespmem:$0x1EA80] =	vst v63  }
0xa6: {  	_ =	swait.ge [sflag:s29], $0x2800  }
0xa7: {  	[sflag:s29] =	ssyncset.done $0x0  }
0xa8: {  	[sflag:s29] =	ssyncadd.s32 $0xFFFFD800  }
0xa9: {  	[spmem:s25] =	stream.linear.scatter [tilespmem:s28], [sflag:$0x6], $0x2800, $0x38;
	[tilespmem:$0x1EA80] =	vst v63  }
0xaa: {  	_ =	swait.ge [sflag:s29], $0x2800  }
0xab: {  	[sflag:s29] =	ssyncset.done $0x0  }
0xac: {  	[sflag:s29] =	ssyncadd.s32 $0xFFFFD800  }
0xad: {  	[spmem:s26] =	stream.linear.scatter [tilespmem:s28], [sflag:$0x6], $0x2800, $0x38;
	[tilespmem:$0x1EA80] =	vst v63  }
0xae: {  	_ =	swait.ge [sflag:s29], $0x2800  }
0xaf: {  	[sflag:s29] =	ssyncset.done $0x0  }
0xb0: {  	s21 =	rddreg [dreg:$0xd];
	[sflag:s29] =	ssyncadd.s32 $0xFFFFD800  }
0xb1: {  	[spmem:s21] =	stream.linear.scatter [tilespmem:s28], [sflag:$0x6], $0x400, $0x38;
	[tilespmem:$0x1EA80] =	vst v63  }
0xb2: {  	_ =	swait.ge [sflag:s29], $0x400  }
0xb3: {  	[sflag:s29] =	ssyncset.done $0x0  }
0xb4: {  	[sflag:s29] =	ssyncadd.s32 $0xFFFFFC00  }
0xb5: {  	[bflag:$0x0] =	sbarrier.arrive $0xFFFF  }
0xb6: {  	s16 =	simm.s32 $0x0;
	s22 =	rddreg [dreg:$0xe]  }
0xb7: {  	[tilespmem:s16], [sflag:$0x3] =	stream.linear.gather [hbm4b:s22+s16], $0x80, $0x38;
	[tilespmem:$0x1EA80] =	vst v63  }
0xb8: {  	s19 =	simm.s32 $0x100;
	s17 =	sadd.s32 $0x80, s22  }
0xb9: {  	[tilespmem:s19], [sflag:$0x3] =	stream.linear.gather [hbm4b:s17+s16], $0x80, $0x38;
	[tilespmem:$0x1EA80] =	vst v63  }
.LBB2_6:
0xba: {  	p1 =	seq.s32 s16, $0x3E  }
0xbb: {  	s17 =	sadd.s32 @!p1 $0x1, s16  }
0xbc: {  	s19 =	sshll.u32 @!p1 s17, $0x8  }
0xbd: {  	_ =	swait.ge [sflag:s31], $0x100;
	s17 =	sshll.u32 @!p1 s17, $0x7;
	s19 =	sand.u32 @!p1 $0x7800, s19  }
0xbe: {  	[sflag:s31] =	ssyncset.done $0x0;
	s20 =	sand.u32 @!p1 $0x380, s17;
	s19 =	sadd.s32 @!p1 s5, s19  }
0xbf: {  	s21 =	simm.s32 @!p1 $0x0;
	s17 =	sand.u32 $0x1, s16;
	s19 =	sor.u32 @!p1 s20, s19  }
0xc0: {  	p2 =	seq.s32 @!p1 s16, $0x0;
	s20 =	sshll.u32 @!p1 s17, $0x7;
	s19 =	sshrl.u32 @!p1 s19, $0x3  }
0xc1: {  	[sflag:s31] =	ssyncadd.s32 $0xFFFFFF00;
	s20 =	sxor.u32 @!p1 $0x80, s20;
	s19 =	sadd.s32 @!p1 s15, s19  }
0xc2: {  	[tilespmem:s20], [sflag:$0x3] =	stream.linear.gather @!p1 [hbm4b:s19+s21], $0x80, $0x38;
	[tilespmem:$0x1EA80] =	vst v63  }
0xc3: {  	p2 =	por p1, !p2;
	s19 =	sadd.s32 @!p1 $0x80, s19;
	s20 =	sor.u32 @!p1 $0x100, s20  }
0xc4: {  	[tilespmem:s20], [sflag:$0x3] =	stream.linear.gather @!p1 [hbm4b:s19+s21], $0x80, $0x38;
	[tilespmem:$0x1EA80] =	vst v63  }
0xc5: {  	_ =	swait.ge @p2 [sflag:s11], $0x2800  }
0xc6: {  	[sflag:s11] =	ssyncset.done @p2 $0x0  }
0xc7: {  	[sflag:s11] =	ssyncadd.s32 @p2 $0xFFFFD800  }
0xc8: {  	_ =	swait.ge @p2 [sflag:s12], $0x2800  }
0xc9: {  	[sflag:s12] =	ssyncset.done @p2 $0x0  }
0xca: {  	s17 =	sshll.u32 s17, $0x7;
	[sflag:s12] =	ssyncadd.s32 @p2 $0xFFFFD800  }
0xcb: {  	v8 =	vld [tilespmem:s17+$0x0];
	_ =	sdelay $0x4  }
0xcc: {  	v9 =	vshrl.u32 v8, $0x10;
	_ =	sdelay $0x1  }
0xcd: {  	v8 =	vand.u32 $0xFFFF, v8  }
0xce: {  	[tilespmem:$0x200] =	vst v8  }
0xcf: {  	[tilespmem:$0x280] =	vst v9  }
0xd0: {  	[tilespmem:v9+s0+$0x0] =	vst.idx.add.s32.msk $0xffff, v2  }
0xd1: {  	v8 =	vld [tilespmem:s17+$0x10];
	_ =	sdelay $0x4  }
0xd2: {  	v60 =	vshrl.u32 v8, $0x10;
	_ =	sdelay $0x1  }
0xd3: {  	v8 =	vand.u32 $0xFFFF, v8  }
0xd4: {  	[tilespmem:$0x210] =	vst v8  }
0xd5: {  	[tilespmem:$0x290] =	vst v60  }
0xd6: {  	[tilespmem:v60+s0+$0x0] =	vst.idx.add.s32.msk $0xffff, v2  }
0xd7: {  	v8 =	vld [tilespmem:s17+$0x20];
	_ =	sdelay $0x4  }
0xd8: {  	v61 =	vshrl.u32 v8, $0x10;
	_ =	sdelay $0x1  }
0xd9: {  	v8 =	vand.u32 $0xFFFF, v8  }
0xda: {  	[tilespmem:$0x220] =	vst v8  }
0xdb: {  	[tilespmem:$0x2A0] =	vst v61  }
0xdc: {  	[tilespmem:v61+s0+$0x0] =	vst.idx.add.s32.msk $0xffff, v2  }
0xdd: {  	v8 =	vld [tilespmem:s17+$0x30];
	_ =	sdelay $0x4  }
0xde: {  	v62 =	vshrl.u32 v8, $0x10;
	_ =	sdelay $0x1  }
0xdf: {  	v8 =	vand.u32 $0xFFFF, v8  }
0xe0: {  	[tilespmem:$0x230] =	vst v8  }
0xe1: {  	[tilespmem:$0x2B0] =	vst v62  }
0xe2: {  	[tilespmem:v62+s0+$0x0] =	vst.idx.add.s32.msk $0xffff, v2  }
0xe3: {  	v8 =	vld [tilespmem:s17+$0x40];
	_ =	sdelay $0x4  }
0xe4: {  	v63 =	vshrl.u32 v8, $0x10;
	_ =	sdelay $0x1  }
.Ltmp4:
0xe5: {  	v8 =	vand.u32 $0xFFFF, v8;
	(pc) =	sbr.rel @!p1 .LBB2_7-.Ltmp4, $4  }
0xe6: {  	[tilespmem:$0x240] =	vst v8  }
0xe7: {  	[tilespmem:$0x2C0] =	vst v63  }
0xe8: {  	[tilespmem:v63+s0+$0x0] =	vst.idx.add.s32.msk $0xffff, v2  }
0xe9: {  	[tilespmem:s6], [sflag:$0x1] =	stream.indirect.gather [hbm4b:s1+s3], $0x80, s30, s3, $0xb8;
	[tilespmem:$0x1EA80] =	vst v63  }
0xea: {  	[tilespmem:$0x380] =	vst v3  }
0xeb: {  	[tilespmem:$0x390] =	vst v4  }
0xec: {  	[tilespmem:$0x3A0] =	vst v5  }
0xed: {  	[tilespmem:$0x3B0] =	vst v6;
	s17 =	simm.s32 $0x0  }
0xee: {  	[tilespmem:$0x3C0] =	vst v7;
	s21 =	simm.s32 $0x0;
	s20 =	simm.s32 $0x10;
	s19 =	simm.s32 $0x0  }
.LBB2_9:
0xef: {  	p2 =	sne.s32 s20, $0x27F0;
	v8 =	vld [tilespmem:s21+$0x8000];
	_ =	sdelay $0x2  }
.Ltmp5:
0xf0: {  	(pc) =	sbr.rel @p2 .LBB2_9-.Ltmp5, $4  }
0xf1: {  	s21 =	sand.u32 $0xFE00, s17  }
0xf2: {  	s22 =	sand.u32 $0x70, s19;
	s19 =	smov.u32 s20;
	s21 =	sshrl.u32 s21, $0x2;
	v8 =	vcvt.s32.f32 v8  }
0xf3: {  	s17 =	sadd.s32 $0x40, s17;
	s22 =	sor.u32 s22, s21  }
0xf4: {  	s20 =	sadd.s32 $0x10, s20;
	s21 =	sshra.s32 s17, $0x2;
	[tilespmem:s22+$0x2C00] =	vst v8  }
0xf5: {  	v8 =	vld [tilespmem:s21+$0x8000];
	_ =	sdelay $0x2  }
.Ltmp6:
0xf6: {  	_ = 	snop;
	(pc) =	sbr.rel .LBB2_11-.Ltmp6, $4  }
0xf7: {  	s17 =	sand.u32 $0xFE00, s17  }
0xf8: {  	s19 =	sand.u32 $0x70, s19;
	s17 =	sshrl.u32 s17, $0x2;
	v8 =	vcvt.s32.f32 v8  }
0xf9: {  	s17 =	sor.u32 s19, s17  }
0xfa: {  	[tilespmem:s17+$0x2C00] =	vst v8  }
.LBB2_7:
0xfb: {  	v8 =	vld [tilespmem:s17+$0x50];
	_ =	sdelay $0x4  }
0xfc: {  	v9 =	vshrl.u32 v8, $0x10;
	_ =	sdelay $0x1  }
0xfd: {  	v8 =	vand.u32 $0xFFFF, v8  }
0xfe: {  	[tilespmem:$0x300] =	vst v8  }
0xff: {  	[tilespmem:$0x380] =	vst v9  }
0x100: {  	[tilespmem:v9+s0+$0x0] =	vst.idx.add.s32.msk $0xffff, v2  }
0x101: {  	v8 =	vld [tilespmem:s17+$0x60];
	_ =	sdelay $0x4  }
0x102: {  	v60 =	vshrl.u32 v8, $0x10;
	_ =	sdelay $0x1  }
0x103: {  	v8 =	vand.u32 $0xFFFF, v8  }
0x104: {  	[tilespmem:$0x310] =	vst v8  }
0x105: {  	[tilespmem:$0x390] =	vst v60  }
0x106: {  	[tilespmem:v60+s0+$0x0] =	vst.idx.add.s32.msk $0xffff, v2  }
0x107: {  	v8 =	vld [tilespmem:s17+$0x70];
	_ =	sdelay $0x4  }
0x108: {  	v61 =	vshrl.u32 v8, $0x10;
	_ =	sdelay $0x1  }
0x109: {  	v8 =	vand.u32 $0xFFFF, v8  }
0x10a: {  	[tilespmem:$0x320] =	vst v8  }
0x10b: {  	[tilespmem:$0x3A0] =	vst v61  }
0x10c: {  	[tilespmem:v61+s0+$0x0] =	vst.idx.add.s32.msk $0xffff, v2  }
0x10d: {  	v8 =	vld [tilespmem:s17+$0x100];
	_ =	sdelay $0x4  }
0x10e: {  	v62 =	vshrl.u32 v8, $0x10;
	_ =	sdelay $0x1  }
0x10f: {  	v8 =	vand.u32 $0xFFFF, v8  }
0x110: {  	[tilespmem:$0x330] =	vst v8  }
0x111: {  	[tilespmem:$0x3B0] =	vst v62  }
0x112: {  	[tilespmem:v62+s0+$0x0] =	vst.idx.add.s32.msk $0xffff, v2  }
0x113: {  	v8 =	vld [tilespmem:s17+$0x110];
	_ =	sdelay $0x4  }
0x114: {  	v63 =	vshrl.u32 v8, $0x10;
	_ =	sdelay $0x1  }
0x115: {  	v8 =	vand.u32 $0xFFFF, v8  }
0x116: {  	[tilespmem:$0x340] =	vst v8  }
0x117: {  	[tilespmem:$0x3C0] =	vst v63  }
0x118: {  	[tilespmem:v63+s0+$0x0] =	vst.idx.add.s32.msk $0xffff, v2  }
0x119: {  	[tilespmem:s10], [sflag:$0x2] =	stream.indirect.gather [hbm4b:s1+s3], $0x80, s14, s3, $0xb8;
	[tilespmem:$0x1EA80] =	vst v63  }
.LBB2_11:
.Ltmp7:
0x11a: {  	(pc) =	sbr.rel @p1 .LBB2_13-.Ltmp7, $4  }
0x11b: {  	_ =	swait.ge [sflag:s7], $0x2800  }
0x11c: {  	[sflag:s7] =	ssyncset.done $0x0  }
0x11d: {  	[sflag:s7] =	ssyncadd.s32 $0xFFFFD800  }
0x11e: {  	[spmem:s2] =	stream.indirect.scatter.add.f32 [tilespmem:s6], [sflag:$0x5], $0x80, s8, s3, $0xb8;
	[tilespmem:$0x1EA80] =	vst v63  }
.Ltmp8:
0x11f: {  	(pc) =	sbr.rel .LBB2_6-.Ltmp8, $4  }
0x120: {  	_ =	swait.ge [sflag:s13], $0x2800  }
0x121: {  	[sflag:s13] =	ssyncset.done $0x0  }
0x122: {  	s16 =	sadd.s32 $0x1, s16;
	[sflag:s13] =	ssyncadd.s32 $0xFFFFD800  }
0x123: {  	[spmem:s2] =	stream.indirect.scatter.add.f32 [tilespmem:s10], [sflag:$0x4], $0x80, s9, s3, $0xb8;
	[tilespmem:$0x1EA80] =	vst v63  }
.LBB2_14:
0x124: {  	_ =	sfence.sel $0x180000  }
0x125: {  	[bflag:$0x0] =	sbarrier.arrive $0xFFFF  }
0x126: {  	_ =	strace $0x9000004A  }
0x127: {  	s0 =	stileid.u32;
	[bflag:$0x2] =	sbarrier.arrive $0xFFFF  }
0x128: {  	p0 =	sne.s32 s0, $0x0;
	s0 =	rddreg [dreg:$0x3]  }
0x129: {  	s0 =	sadd.s32 @!p0 $0x100000, s0  }
0x12a: {  	[sflag:s0] =	ssyncadd.tile.s32 @!p0 $0x1;
	_ =	shalt  }
.Lfunc_end2:
_tile_overlayer_lowered:
.L_overlay_start_2:
0x12b: {  	(tag) =	ssettag $0x2  }
0x12c: {  	s0 =	rddreg [dreg:$0x0];
	s2 =	stileid.u32  }
0x12d: {  	s1 =	rddreg [dreg:$0x1];
	p0 =	sne.s32 s2, $0x0  }
0x12e: {  	s3 =	rddreg [dreg:$0x2];
	[bflag:$0x3] =	sbarrier.arrive $0xFFFF;
	s2 =	simm.s32 @!p0 $0x1C06  }
0x12f: {  	[timem:s3], [sflag:s2] =	dma.local @!p0 [hbm:s0], s1  }
0x130: {  	s0 =	simm.s32 @!p0 $0x6  }
0x131: {  	_ =	swait.ge @!p0 [sflag:s0], s1  }
0x132: {  	s1 =	ssub.s32 @!p0 $0x0, s1;
	[sflag:s0] =	ssyncset.done @!p0 $0x0  }
0x133: {  	[sflag:s0] =	ssyncadd.s32 @!p0 s1  }
0x134: {  	[bflag:$0x3] =	sbarrier.arrive $0xFFFF  }
0x135: {  	_ =	shalt  }

</sc_bundles>
